<compile_context>
chip_gen: v7x
topology: tpu7x:2x2x1
jax: 0.10.2.dev20260603
libtpu: 0.0.44.dev20260713+nightly
codegen_flags: <defaults>
</compile_context>

<pallas_src>
import functools

import jax
import jax.numpy as jnp
from jax import lax
from jax.experimental import pallas as pl
from jax.experimental.pallas import tpu as pltpu
from jax.experimental.pallas import tpu_sc as plsc

N = 10000
E = 320000
D = 128
BN = 64
IN1 = D + 2 * BN
IN2 = IN1 + 2 * BN
P = D * 3

NC = 2
NS = 16
EPW = E // NS
CH = 80
NCH = EPW // CH
NP = 10240
RPS = NP // NS
CW = 16

BLK = 2000


def _relu(x):
    return jnp.maximum(x, 0.0)


def _dot(a, b):
    return jnp.dot(a, b, preferred_element_type=jnp.float32)



_MESH = plsc.VectorSubcoreMesh(core_axis_name="c", subcore_axis_name="s")
_SC_PARAMS = pltpu.CompilerParams(use_tc_tiling_on_sc=False)


def _make_seg(with_counts):
    out_type = [jax.ShapeDtypeStruct((NC, NP, BN), jnp.float32)]
    scratch = [
        pltpu.VMEM((NCH, CH), jnp.int32),
        pltpu.VMEM((NCH, CH), jnp.int32),
        pltpu.VMEM((CH, BN), jnp.float32),
        pltpu.SemaphoreType.DMA,
        pltpu.VMEM_SHARED((NP, BN), jnp.float32),
    ]
    if with_counts:
        out_type.append(jax.ShapeDtypeStruct((NC, NP, CW), jnp.float32))
        scratch += [
            pltpu.VMEM((CH, CW), jnp.float32),
            pltpu.VMEM_SHARED((NP, CW), jnp.float32),
        ]

    @functools.partial(pl.kernel, mesh=_MESH, out_type=out_type,
                       scratch_types=scratch, compiler_params=_SC_PARAMS)
    def seg(*refs):
        if with_counts:
            (src_r, dst_r, z, zeros, zeros_c, ones,
             agg, cnt, idx_g, idx_sc, rows, sem, acc, ones_v, acc_c) = refs
        else:
            (src_r, dst_r, z, zeros,
             agg, idx_g, idx_sc, rows, sem, acc) = refs
        c = lax.axis_index("c")
        s = lax.axis_index("s")
        r0 = s * RPS
        pltpu.sync_copy(zeros.at[pl.ds(r0, RPS)], acc.at[pl.ds(r0, RPS)])
        if with_counts:
            pltpu.sync_copy(zeros_c.at[pl.ds(r0, RPS)],
                            acc_c.at[pl.ds(r0, RPS)])
            pltpu.sync_copy(ones, ones_v)

        @pl.when(c == 0)
        def _():
            pltpu.sync_copy(src_r.at[s], idx_g)
            pltpu.sync_copy(dst_r.at[s], idx_sc)

        @pl.when(c != 0)
        def _():
            pltpu.sync_copy(dst_r.at[s], idx_g)
            pltpu.sync_copy(src_r.at[s], idx_sc)

        plsc.subcore_barrier()

        if with_counts:
            def body(j, carry):
                pltpu.async_copy(z.at[idx_g.at[j]], rows, sem).wait()
                pltpu.sync_copy(rows, acc.at[idx_sc.at[j]], add=True)
                pltpu.sync_copy(ones_v, acc_c.at[idx_sc.at[j]], add=True)
                return carry
        else:
            def body(j, carry):
                pltpu.async_copy(z.at[idx_g.at[j]], rows, sem).wait()
                pltpu.sync_copy(rows, acc.at[idx_sc.at[j]], add=True)
                return carry

        lax.fori_loop(0, NCH, body, 0)
        plsc.subcore_barrier()
        pltpu.sync_copy(acc.at[pl.ds(r0, RPS)], agg.at[c, pl.ds(r0, RPS)])
        if with_counts:
            pltpu.sync_copy(acc_c.at[pl.ds(r0, RPS)],
                            cnt.at[c, pl.ds(r0, RPS)])

    return seg


_seg_with_counts = _make_seg(True)
_seg_no_counts = _make_seg(False)




def _means(agg, cnt):
    stgt = agg[0] / jnp.maximum(cnt[0, :, 0:1], 1.0)
    ssrc = agg[1] / jnp.maximum(cnt[1, :, 0:1], 1.0)
    return ssrc, stgt


def _enc0_body(x, we, be, wd, bd, z_ref, h_ref):
    z = _relu(_dot(x[...], we[...]) + be[...])
    z_ref[...] = z
    h_ref[...] = _relu(_dot(z, wd[...]) + bd[...])


def _enc0(x, we, be, wd, bd):
    return pl.pallas_call(
        _enc0_body,
        grid=(N // BLK,),
        in_specs=[
            pl.BlockSpec((BLK, D), lambda i: (i, 0)),
            pl.BlockSpec((D, BN), lambda i: (0, 0)),
            pl.BlockSpec((1, BN), lambda i: (0, 0)),
            pl.BlockSpec((BN, D), lambda i: (0, 0)),
            pl.BlockSpec((1, D), lambda i: (0, 0)),
        ],
        out_specs=[
            pl.BlockSpec((BLK, BN), lambda i: (i, 0)),
            pl.BlockSpec((BLK, D), lambda i: (i, 0)),
        ],
        out_shape=[
            jax.ShapeDtypeStruct((N, BN), jnp.float32),
            jax.ShapeDtypeStruct((N, D), jnp.float32),
        ],
    )(x, we, be, wd, bd)


def _depth1_body(h0, agg, cnt, weh, wes, wet, be, wd, bd, z_ref, h_ref):
    ssrc, stgt = _means(agg[...], cnt[...])
    z = _relu(_dot(h0[...], weh[...]) + _dot(ssrc, wes[...])
              + _dot(stgt, wet[...]) + be[...])
    z_ref[...] = z
    h_ref[...] = _relu(_dot(z, wd[...]) + bd[...])


def _depth1(h0, agg, cnt, weh, wes, wet, be, wd, bd):
    return pl.pallas_call(
        _depth1_body,
        grid=(N // BLK,),
        in_specs=[
            pl.BlockSpec((BLK, D), lambda i: (i, 0)),
            pl.BlockSpec((NC, BLK, BN), lambda i: (0, i, 0)),
            pl.BlockSpec((NC, BLK, CW), lambda i: (0, i, 0)),
            pl.BlockSpec((D, BN), lambda i: (0, 0)),
            pl.BlockSpec((BN, BN), lambda i: (0, 0)),
            pl.BlockSpec((BN, BN), lambda i: (0, 0)),
            pl.BlockSpec((1, BN), lambda i: (0, 0)),
            pl.BlockSpec((BN, IN1), lambda i: (0, 0)),
            pl.BlockSpec((1, IN1), lambda i: (0, 0)),
        ],
        out_specs=[
            pl.BlockSpec((BLK, BN), lambda i: (i, 0)),
            pl.BlockSpec((BLK, IN1), lambda i: (i, 0)),
        ],
        out_shape=[
            jax.ShapeDtypeStruct((N, BN), jnp.float32),
            jax.ShapeDtypeStruct((N, IN1), jnp.float32),
        ],
    )(h0, agg, cnt, weh, wes, wet, be, wd, bd)


def _final_body(h0, h1, agg, cnt, weh, wes, wet, be, wd, bd,
                wp0, wp1, wp2, bp, wo, bo, out_ref):
    ssrc, stgt = _means(agg[...], cnt[...])
    z2 = _relu(_dot(h1[...], weh[...]) + _dot(ssrc, wes[...])
               + _dot(stgt, wet[...]) + be[...])
    h2 = _relu(_dot(z2, wd[...]) + bd[...])
    proj = _relu(_dot(h0[...], wp0[...]) + _dot(h1[...], wp1[...])
                 + _dot(h2, wp2[...]) + bp[...])
    out_ref[...] = _dot(proj, wo[...]) + bo[...]


def _final(h0, h1, agg, cnt, weh, wes, wet, be, wd, bd,
           wp0, wp1, wp2, bp, wo, bo):
    return pl.pallas_call(
        _final_body,
        grid=(N // BLK,),
        in_specs=[
            pl.BlockSpec((BLK, D), lambda i: (i, 0)),
            pl.BlockSpec((BLK, IN1), lambda i: (i, 0)),
            pl.BlockSpec((NC, BLK, BN), lambda i: (0, i, 0)),
            pl.BlockSpec((NC, BLK, CW), lambda i: (0, i, 0)),
            pl.BlockSpec((IN1, BN), lambda i: (0, 0)),
            pl.BlockSpec((BN, BN), lambda i: (0, 0)),
            pl.BlockSpec((BN, BN), lambda i: (0, 0)),
            pl.BlockSpec((1, BN), lambda i: (0, 0)),
            pl.BlockSpec((BN, IN2), lambda i: (0, 0)),
            pl.BlockSpec((1, IN2), lambda i: (0, 0)),
            pl.BlockSpec((D, P), lambda i: (0, 0)),
            pl.BlockSpec((IN1, P), lambda i: (0, 0)),
            pl.BlockSpec((IN2, P), lambda i: (0, 0)),
            pl.BlockSpec((1, P), lambda i: (0, 0)),
            pl.BlockSpec((P, D), lambda i: (0, 0)),
            pl.BlockSpec((1, D), lambda i: (0, 0)),
        ],
        out_specs=pl.BlockSpec((BLK, D), lambda i: (i, 0)),
        out_shape=jax.ShapeDtypeStruct((N, D), jnp.float32),
    )(h0, h1, agg, cnt, weh, wes, wet, be, wd, bd,
      wp0, wp1, wp2, bp, wo, bo)


def kernel(entities, adjacencies, W_enc0, b_enc0, W_dec0, b_dec0,
           W_enc1, b_enc1, W_dec1, b_dec1, W_enc2, b_enc2, W_dec2, b_dec2,
           W_proj, b_proj, W_out, b_out):
    src_r = adjacencies[0].reshape(NS, NCH, CH)
    dst_r = adjacencies[1].reshape(NS, NCH, CH)
    zeros = jnp.zeros((NP, BN), jnp.float32)
    zeros_c = jnp.zeros((NP, CW), jnp.float32)
    ones = jnp.ones((CH, CW), jnp.float32)

    z0, h0 = _enc0(entities, W_enc0, b_enc0.reshape(1, -1),
                   W_dec0, b_dec0.reshape(1, -1))
    agg0, cnt = _seg_with_counts(src_r, dst_r, z0, zeros, zeros_c, ones)
    z1, h1 = _depth1(h0, agg0, cnt,
                     W_enc1[:D], W_enc1[D:D + BN], W_enc1[D + BN:],
                     b_enc1.reshape(1, -1), W_dec1, b_dec1.reshape(1, -1))
    agg1 = _seg_no_counts(src_r, dst_r, z1, zeros)[0]
    recon = _final(h0, h1, agg1, cnt,
                   W_enc2[:IN1], W_enc2[IN1:IN1 + BN], W_enc2[IN1 + BN:],
                   b_enc2.reshape(1, -1), W_dec2, b_dec2.reshape(1, -1),
                   W_proj[:D], W_proj[D:D + IN1], W_proj[D + IN1:],
                   b_proj.reshape(1, -1), W_out, b_out.reshape(1, -1))
    return recon

# --- scband reference (transcript-rebuilt; emitter-appended) ---
"""Pipeline reference for scband-graph-autoencoder-28054726378044 (READ-ONLY COPY).

The authoritative reference and input builder live on the scoring server;
editing this copy changes nothing except your own understanding.
"""

import jax, jax.numpy as jnp
import numpy as np

N = 10000
E = 320000
D = 128
BN = 64
IN1 = D + 2 * BN          # 256
IN2 = IN1 + 2 * BN        # 384
BOUNDARY = D + IN1 + IN2  # 768
P = D * 3                 # projected_size = max boundary * (depth+1) analog = 384


def _glorot(key, shape):
    fan_in = shape[0]
    return jax.random.normal(key, shape, dtype=jnp.float32) * (1.0 / np.sqrt(fan_in))


def setup_inputs(seed: int = 0) -> dict:
    key = jax.random.key(seed)
    ks = jax.random.split(key, 24)
    entities = jax.random.normal(ks[0], (N, D), dtype=jnp.float32)
    adjacencies = jax.random.randint(ks[1], (2, E), 0, N, dtype=jnp.int32)
    return {
        'entities': entities,
        'adjacencies': adjacencies,
        'W_enc0': _glorot(ks[2], (D, BN)),   'b_enc0': jnp.zeros((BN,), jnp.float32),
        'W_dec0': _glorot(ks[3], (BN, D)),   'b_dec0': jnp.zeros((D,), jnp.float32),
        'W_enc1': _glorot(ks[4], (IN1, BN)), 'b_enc1': jnp.zeros((BN,), jnp.float32),
        'W_dec1': _glorot(ks[5], (BN, IN1)), 'b_dec1': jnp.zeros((IN1,), jnp.float32),
        'W_enc2': _glorot(ks[6], (IN2, BN)), 'b_enc2': jnp.zeros((BN,), jnp.float32),
        'W_dec2': _glorot(ks[7], (BN, IN2)), 'b_dec2': jnp.zeros((IN2,), jnp.float32),
        'W_proj': _glorot(ks[8], (BOUNDARY, P)), 'b_proj': jnp.zeros((P,), jnp.float32),
        'W_out': _glorot(ks[9], (P, D)),     'b_out': jnp.zeros((D,), jnp.float32),
    }


def _summarize(z, idx_from, idx_to, n):
    # mean-pool neighbor bottlenecks onto idx_to nodes (relationship summarizer)
    msgs = jnp.take(z, idx_from, axis=0)
    s = jax.ops.segment_sum(msgs, idx_to, num_segments=n)
    cnt = jax.ops.segment_sum(jnp.ones((idx_to.shape[0],), jnp.float32), idx_to, num_segments=n)
    return s / jnp.maximum(cnt, 1.0)[:, None]


def reference(entities, adjacencies, W_enc0, b_enc0, W_dec0, b_dec0,
              W_enc1, b_enc1, W_dec1, b_dec1, W_enc2, b_enc2, W_dec2, b_dec2,
              W_proj, b_proj, W_out, b_out):
    x = entities
    src = adjacencies[0]
    dst = adjacencies[1]
    n = x.shape[0]
    # depth 0 autoencoder
    z0 = jax.nn.relu(x @ W_enc0 + b_enc0)
    h0 = jax.nn.relu(z0 @ W_dec0 + b_dec0)
    # relationship summarizers (source side sees target bottlenecks, and vice versa)
    s_src0 = _summarize(z0, dst, src, n)
    s_tgt0 = _summarize(z0, src, dst, n)
    # depth 1 autoencoder over [prev output, source summary, target summary]
    a1 = jnp.concatenate([h0, s_src0, s_tgt0], axis=1)
    z1 = jax.nn.relu(a1 @ W_enc1 + b_enc1)
    h1 = jax.nn.relu(z1 @ W_dec1 + b_dec1)
    s_src1 = _summarize(z1, dst, src, n)
    s_tgt1 = _summarize(z1, src, dst, n)
    # depth 2 autoencoder
    a2 = jnp.concatenate([h1, s_src1, s_tgt1], axis=1)
    z2 = jax.nn.relu(a2 @ W_enc2 + b_enc2)
    h2 = jax.nn.relu(z2 @ W_dec2 + b_dec2)
    # highway boost: concat per-depth outputs, project, decode properties
    boundary = jnp.concatenate([h0, h1, h2], axis=1)
    proj = jax.nn.relu(boundary @ W_proj + b_proj)
    recon = proj @ W_out + b_out
    return recon

if __name__ == "__main__":
    import jax
    _d = setup_inputs()
    print(jax.jit(kernel)(*tuple(_d.values())))

</pallas_src>

<mosaic_0001>
#map = affine_map<(d0, d1) -> (0, 0, 0)>
#map1 = affine_map<(d0, d1) -> (0, 0)>
module attributes {stable_mosaic.version = 14 : i64} {
  func.func @seg(%arg0: i32, %arg1: i32, %arg2: memref<16x250x80xi32, #tpu.memory_space<hbm>>, %arg3: memref<16x250x80xi32, #tpu.memory_space<hbm>>, %arg4: memref<10000x64xf32, #tpu.memory_space<hbm>>, %arg5: memref<10240x64xf32, #tpu.memory_space<hbm>>, %arg6: memref<10240x16xf32, #tpu.memory_space<hbm>>, %arg7: memref<80x16xf32, #tpu.memory_space<hbm>>, %arg8: memref<2x10240x64xf32, #tpu.memory_space<hbm>>, %arg9: memref<2x10240x16xf32, #tpu.memory_space<hbm>>, %arg10: memref<250x80xi32, #tpu.memory_space<vmem>>, %arg11: memref<250x80xi32, #tpu.memory_space<vmem>>, %arg12: memref<80x64xf32, #tpu.memory_space<vmem>>, %arg13: memref<!tpu.dma_semaphore, #tpu.memory_space<semaphore_mem>>, %arg14: memref<10240x64xf32, #tpu.memory_space<vmem_shared>>, %arg15: memref<80x16xf32, #tpu.memory_space<vmem>>, %arg16: memref<10240x16xf32, #tpu.memory_space<vmem_shared>>) attributes {dimension_semantics = [#tpu.dimension_semantics<core_parallel>, #tpu.dimension_semantics<subcore_parallel>], iteration_bounds = array<i64: 2, 16>, scalar_prefetch = 0 : i64, scratch_operands = 7 : i64, tpu.core_type = #tpu.core_type<sc_vector_subcore>, window_params = [{transform_indices = #map}, {transform_indices = #map}, {transform_indices = #map1}, {transform_indices = #map1}, {transform_indices = #map1}, {transform_indices = #map1}, {transform_indices = #map}, {transform_indices = #map}]} {
    %mul3A = arith.constant 640 : i32
    %mul3A_0 = arith.muli %arg1, %mul3A : i32
    "tpu.region"() ({
      %run_scoped3A = tpu.sem_alloc : memref<!tpu.dma_semaphore, #tpu.memory_space<semaphore_mem>>
      %dma_start3A = arith.constant 0 : i32
      %dma_start3A_13 = tpu.memref_slice %arg14[%mul3A_0, %dma_start3A] : memref<10240x64xf32, #tpu.memory_space<vmem_shared>> -> memref<640x64xf32, #tpu.memory_space<vmem_shared>>
      %dma_start3A_14 = arith.constant 0 : i32
      %dma_start3A_15 = tpu.memref_slice %arg5[%mul3A_0, %dma_start3A_14] : memref<10240x64xf32, #tpu.memory_space<hbm>> -> memref<640x64xf32, #tpu.memory_space<hbm>>
      tpu.enqueue_dma source(%dma_start3A_15 : memref<640x64xf32, #tpu.memory_space<hbm>>) target(%dma_start3A_13 : memref<640x64xf32, #tpu.memory_space<vmem_shared>>) target_semaphore(%run_scoped3A : memref<!tpu.dma_semaphore, #tpu.memory_space<semaphore_mem>>)
      %dma_wait3A = arith.constant 0 : i32
      %dma_wait3A_16 = tpu.memref_slice %arg14[%mul3A_0, %dma_wait3A] : memref<10240x64xf32, #tpu.memory_space<vmem_shared>> -> memref<640x64xf32, #tpu.memory_space<vmem_shared>>
      %dma_wait3A_17 = arith.constant 0 : i32
      %dma_wait3A_18 = tpu.memref_slice %arg5[%mul3A_0, %dma_wait3A_17] : memref<10240x64xf32, #tpu.memory_space<hbm>> -> memref<640x64xf32, #tpu.memory_space<hbm>>
      tpu.wait_dma2 semaphore(%run_scoped3A : memref<!tpu.dma_semaphore, #tpu.memory_space<semaphore_mem>>) src(%dma_wait3A_18 : memref<640x64xf32, #tpu.memory_space<hbm>>) dst(%dma_wait3A_16 : memref<640x64xf32, #tpu.memory_space<vmem_shared>>)
      tpu.yield
    }) : () -> ()
    "tpu.region"() ({
      %run_scoped3A = tpu.sem_alloc : memref<!tpu.dma_semaphore, #tpu.memory_space<semaphore_mem>>
      %dma_start3A = arith.constant 0 : i32
      %dma_start3A_13 = tpu.memref_slice %arg16[%mul3A_0, %dma_start3A] : memref<10240x16xf32, #tpu.memory_space<vmem_shared>> -> memref<640x16xf32, #tpu.memory_space<vmem_shared>>
      %dma_start3A_14 = arith.constant 0 : i32
      %dma_start3A_15 = tpu.memref_slice %arg6[%mul3A_0, %dma_start3A_14] : memref<10240x16xf32, #tpu.memory_space<hbm>> -> memref<640x16xf32, #tpu.memory_space<hbm>>
      tpu.enqueue_dma source(%dma_start3A_15 : memref<640x16xf32, #tpu.memory_space<hbm>>) target(%dma_start3A_13 : memref<640x16xf32, #tpu.memory_space<vmem_shared>>) target_semaphore(%run_scoped3A : memref<!tpu.dma_semaphore, #tpu.memory_space<semaphore_mem>>)
      %dma_wait3A = arith.constant 0 : i32
      %dma_wait3A_16 = tpu.memref_slice %arg16[%mul3A_0, %dma_wait3A] : memref<10240x16xf32, #tpu.memory_space<vmem_shared>> -> memref<640x16xf32, #tpu.memory_space<vmem_shared>>
      %dma_wait3A_17 = arith.constant 0 : i32
      %dma_wait3A_18 = tpu.memref_slice %arg6[%mul3A_0, %dma_wait3A_17] : memref<10240x16xf32, #tpu.memory_space<hbm>> -> memref<640x16xf32, #tpu.memory_space<hbm>>
      tpu.wait_dma2 semaphore(%run_scoped3A : memref<!tpu.dma_semaphore, #tpu.memory_space<semaphore_mem>>) src(%dma_wait3A_18 : memref<640x16xf32, #tpu.memory_space<hbm>>) dst(%dma_wait3A_16 : memref<640x16xf32, #tpu.memory_space<vmem_shared>>)
      tpu.yield
    }) : () -> ()
    "tpu.region"() ({
      %run_scoped3A = tpu.sem_alloc : memref<!tpu.dma_semaphore, #tpu.memory_space<semaphore_mem>>
      tpu.enqueue_dma source(%arg7 : memref<80x16xf32, #tpu.memory_space<hbm>>) target(%arg15 : memref<80x16xf32, #tpu.memory_space<vmem>>) target_semaphore(%run_scoped3A : memref<!tpu.dma_semaphore, #tpu.memory_space<semaphore_mem>>)
      tpu.wait_dma2 semaphore(%run_scoped3A : memref<!tpu.dma_semaphore, #tpu.memory_space<semaphore_mem>>) src(%arg7 : memref<80x16xf32, #tpu.memory_space<hbm>>) dst(%arg15 : memref<80x16xf32, #tpu.memory_space<vmem>>)
      tpu.yield
    }) : () -> ()
    %eq3A = arith.constant 0 : i32
    %eq3A_1 = arith.cmpi eq, %arg0, %eq3A : i32
    %convert_element_type3A = arith.extui %eq3A_1 : i1 to i32
    %cond3A = arith.constant 0 : i32
    %cond3A_2 = arith.cmpi ne, %convert_element_type3A, %cond3A : i32
    scf.if %cond3A_2 {
      "tpu.region"() ({
        %run_scoped3A = tpu.sem_alloc : memref<!tpu.dma_semaphore, #tpu.memory_space<semaphore_mem>>
        %dma_start3A = arith.constant 0 : i32
        %dma_start3A_13 = arith.constant 0 : i32
        %dma_start3A_14 = tpu.memref_slice %arg2[%arg1, %dma_start3A, %dma_start3A_13] : memref<16x250x80xi32, #tpu.memory_space<hbm>> -> memref<1x250x80xi32, #tpu.memory_space<hbm>>
        %dma_start3A_15 = tpu.memref_squeeze %dma_start3A_14 : memref<1x250x80xi32, #tpu.memory_space<hbm>> -> memref<250x80xi32, #tpu.memory_space<hbm>>
        %dma_start3A_16 = arith.constant 0 : i32
        %dma_start3A_17 = arith.constant 0 : i32
        %dma_start3A_18 = tpu.memref_slice %arg2[%arg1, %dma_start3A_16, %dma_start3A_17] : memref<16x250x80xi32, #tpu.memory_space<hbm>> -> memref<1x250x80xi32, #tpu.memory_space<hbm>>
        %dma_start3A_19 = tpu.memref_squeeze %dma_start3A_18 : memref<1x250x80xi32, #tpu.memory_space<hbm>> -> memref<250x80xi32, #tpu.memory_space<hbm>>
        tpu.enqueue_dma source(%dma_start3A_19 : memref<250x80xi32, #tpu.memory_space<hbm>>) target(%arg10 : memref<250x80xi32, #tpu.memory_space<vmem>>) target_semaphore(%run_scoped3A : memref<!tpu.dma_semaphore, #tpu.memory_space<semaphore_mem>>)
        %dma_wait3A = arith.constant 0 : i32
        %dma_wait3A_20 = arith.constant 0 : i32
        %dma_wait3A_21 = tpu.memref_slice %arg2[%arg1, %dma_wait3A, %dma_wait3A_20] : memref<16x250x80xi32, #tpu.memory_space<hbm>> -> memref<1x250x80xi32, #tpu.memory_space<hbm>>
        %dma_wait3A_22 = tpu.memref_squeeze %dma_wait3A_21 : memref<1x250x80xi32, #tpu.memory_space<hbm>> -> memref<250x80xi32, #tpu.memory_space<hbm>>
        %dma_wait3A_23 = arith.constant 0 : i32
        %dma_wait3A_24 = arith.constant 0 : i32
        %dma_wait3A_25 = tpu.memref_slice %arg2[%arg1, %dma_wait3A_23, %dma_wait3A_24] : memref<16x250x80xi32, #tpu.memory_space<hbm>> -> memref<1x250x80xi32, #tpu.memory_space<hbm>>
        %dma_wait3A_26 = tpu.memref_squeeze %dma_wait3A_25 : memref<1x250x80xi32, #tpu.memory_space<hbm>> -> memref<250x80xi32, #tpu.memory_space<hbm>>
        tpu.wait_dma2 semaphore(%run_scoped3A : memref<!tpu.dma_semaphore, #tpu.memory_space<semaphore_mem>>) src(%dma_wait3A_26 : memref<250x80xi32, #tpu.memory_space<hbm>>) dst(%arg10 : memref<250x80xi32, #tpu.memory_space<vmem>>)
        tpu.yield
      }) : () -> ()
      "tpu.region"() ({
        %run_scoped3A = tpu.sem_alloc : memref<!tpu.dma_semaphore, #tpu.memory_space<semaphore_mem>>
        %dma_start3A = arith.constant 0 : i32
        %dma_start3A_13 = arith.constant 0 : i32
        %dma_start3A_14 = tpu.memref_slice %arg3[%arg1, %dma_start3A, %dma_start3A_13] : memref<16x250x80xi32, #tpu.memory_space<hbm>> -> memref<1x250x80xi32, #tpu.memory_space<hbm>>
        %dma_start3A_15 = tpu.memref_squeeze %dma_start3A_14 : memref<1x250x80xi32, #tpu.memory_space<hbm>> -> memref<250x80xi32, #tpu.memory_space<hbm>>
        %dma_start3A_16 = arith.constant 0 : i32
        %dma_start3A_17 = arith.constant 0 : i32
        %dma_start3A_18 = tpu.memref_slice %arg3[%arg1, %dma_start3A_16, %dma_start3A_17] : memref<16x250x80xi32, #tpu.memory_space<hbm>> -> memref<1x250x80xi32, #tpu.memory_space<hbm>>
        %dma_start3A_19 = tpu.memref_squeeze %dma_start3A_18 : memref<1x250x80xi32, #tpu.memory_space<hbm>> -> memref<250x80xi32, #tpu.memory_space<hbm>>
        tpu.enqueue_dma source(%dma_start3A_19 : memref<250x80xi32, #tpu.memory_space<hbm>>) target(%arg11 : memref<250x80xi32, #tpu.memory_space<vmem>>) target_semaphore(%run_scoped3A : memref<!tpu.dma_semaphore, #tpu.memory_space<semaphore_mem>>)
        %dma_wait3A = arith.constant 0 : i32
        %dma_wait3A_20 = arith.constant 0 : i32
        %dma_wait3A_21 = tpu.memref_slice %arg3[%arg1, %dma_wait3A, %dma_wait3A_20] : memref<16x250x80xi32, #tpu.memory_space<hbm>> -> memref<1x250x80xi32, #tpu.memory_space<hbm>>
        %dma_wait3A_22 = tpu.memref_squeeze %dma_wait3A_21 : memref<1x250x80xi32, #tpu.memory_space<hbm>> -> memref<250x80xi32, #tpu.memory_space<hbm>>
        %dma_wait3A_23 = arith.constant 0 : i32
        %dma_wait3A_24 = arith.constant 0 : i32
        %dma_wait3A_25 = tpu.memref_slice %arg3[%arg1, %dma_wait3A_23, %dma_wait3A_24] : memref<16x250x80xi32, #tpu.memory_space<hbm>> -> memref<1x250x80xi32, #tpu.memory_space<hbm>>
        %dma_wait3A_26 = tpu.memref_squeeze %dma_wait3A_25 : memref<1x250x80xi32, #tpu.memory_space<hbm>> -> memref<250x80xi32, #tpu.memory_space<hbm>>
        tpu.wait_dma2 semaphore(%run_scoped3A : memref<!tpu.dma_semaphore, #tpu.memory_space<semaphore_mem>>) src(%dma_wait3A_26 : memref<250x80xi32, #tpu.memory_space<hbm>>) dst(%arg11 : memref<250x80xi32, #tpu.memory_space<vmem>>)
        tpu.yield
      }) : () -> ()
    } else {
    }
    %ne3A = arith.constant 0 : i32
    %ne3A_3 = arith.cmpi ne, %arg0, %ne3A : i32
    %convert_element_type3A_4 = arith.extui %ne3A_3 : i1 to i32
    %cond3A_5 = arith.constant 0 : i32
    %cond3A_6 = arith.cmpi ne, %convert_element_type3A_4, %cond3A_5 : i32
    scf.if %cond3A_6 {
      "tpu.region"() ({
        %run_scoped3A = tpu.sem_alloc : memref<!tpu.dma_semaphore, #tpu.memory_space<semaphore_mem>>
        %dma_start3A = arith.constant 0 : i32
        %dma_start3A_13 = arith.constant 0 : i32
        %dma_start3A_14 = tpu.memref_slice %arg3[%arg1, %dma_start3A, %dma_start3A_13] : memref<16x250x80xi32, #tpu.memory_space<hbm>> -> memref<1x250x80xi32, #tpu.memory_space<hbm>>
        %dma_start3A_15 = tpu.memref_squeeze %dma_start3A_14 : memref<1x250x80xi32, #tpu.memory_space<hbm>> -> memref<250x80xi32, #tpu.memory_space<hbm>>
        %dma_start3A_16 = arith.constant 0 : i32
        %dma_start3A_17 = arith.constant 0 : i32
        %dma_start3A_18 = tpu.memref_slice %arg3[%arg1, %dma_start3A_16, %dma_start3A_17] : memref<16x250x80xi32, #tpu.memory_space<hbm>> -> memref<1x250x80xi32, #tpu.memory_space<hbm>>
        %dma_start3A_19 = tpu.memref_squeeze %dma_start3A_18 : memref<1x250x80xi32, #tpu.memory_space<hbm>> -> memref<250x80xi32, #tpu.memory_space<hbm>>
        tpu.enqueue_dma source(%dma_start3A_19 : memref<250x80xi32, #tpu.memory_space<hbm>>) target(%arg10 : memref<250x80xi32, #tpu.memory_space<vmem>>) target_semaphore(%run_scoped3A : memref<!tpu.dma_semaphore, #tpu.memory_space<semaphore_mem>>)
        %dma_wait3A = arith.constant 0 : i32
        %dma_wait3A_20 = arith.constant 0 : i32
        %dma_wait3A_21 = tpu.memref_slice %arg3[%arg1, %dma_wait3A, %dma_wait3A_20] : memref<16x250x80xi32, #tpu.memory_space<hbm>> -> memref<1x250x80xi32, #tpu.memory_space<hbm>>
        %dma_wait3A_22 = tpu.memref_squeeze %dma_wait3A_21 : memref<1x250x80xi32, #tpu.memory_space<hbm>> -> memref<250x80xi32, #tpu.memory_space<hbm>>
        %dma_wait3A_23 = arith.constant 0 : i32
        %dma_wait3A_24 = arith.constant 0 : i32
        %dma_wait3A_25 = tpu.memref_slice %arg3[%arg1, %dma_wait3A_23, %dma_wait3A_24] : memref<16x250x80xi32, #tpu.memory_space<hbm>> -> memref<1x250x80xi32, #tpu.memory_space<hbm>>
        %dma_wait3A_26 = tpu.memref_squeeze %dma_wait3A_25 : memref<1x250x80xi32, #tpu.memory_space<hbm>> -> memref<250x80xi32, #tpu.memory_space<hbm>>
        tpu.wait_dma2 semaphore(%run_scoped3A : memref<!tpu.dma_semaphore, #tpu.memory_space<semaphore_mem>>) src(%dma_wait3A_26 : memref<250x80xi32, #tpu.memory_space<hbm>>) dst(%arg10 : memref<250x80xi32, #tpu.memory_space<vmem>>)
        tpu.yield
      }) : () -> ()
      "tpu.region"() ({
        %run_scoped3A = tpu.sem_alloc : memref<!tpu.dma_semaphore, #tpu.memory_space<semaphore_mem>>
        %dma_start3A = arith.constant 0 : i32
        %dma_start3A_13 = arith.constant 0 : i32
        %dma_start3A_14 = tpu.memref_slice %arg2[%arg1, %dma_start3A, %dma_start3A_13] : memref<16x250x80xi32, #tpu.memory_space<hbm>> -> memref<1x250x80xi32, #tpu.memory_space<hbm>>
        %dma_start3A_15 = tpu.memref_squeeze %dma_start3A_14 : memref<1x250x80xi32, #tpu.memory_space<hbm>> -> memref<250x80xi32, #tpu.memory_space<hbm>>
        %dma_start3A_16 = arith.constant 0 : i32
        %dma_start3A_17 = arith.constant 0 : i32
        %dma_start3A_18 = tpu.memref_slice %arg2[%arg1, %dma_start3A_16, %dma_start3A_17] : memref<16x250x80xi32, #tpu.memory_space<hbm>> -> memref<1x250x80xi32, #tpu.memory_space<hbm>>
        %dma_start3A_19 = tpu.memref_squeeze %dma_start3A_18 : memref<1x250x80xi32, #tpu.memory_space<hbm>> -> memref<250x80xi32, #tpu.memory_space<hbm>>
        tpu.enqueue_dma source(%dma_start3A_19 : memref<250x80xi32, #tpu.memory_space<hbm>>) target(%arg11 : memref<250x80xi32, #tpu.memory_space<vmem>>) target_semaphore(%run_scoped3A : memref<!tpu.dma_semaphore, #tpu.memory_space<semaphore_mem>>)
        %dma_wait3A = arith.constant 0 : i32
        %dma_wait3A_20 = arith.constant 0 : i32
        %dma_wait3A_21 = tpu.memref_slice %arg2[%arg1, %dma_wait3A, %dma_wait3A_20] : memref<16x250x80xi32, #tpu.memory_space<hbm>> -> memref<1x250x80xi32, #tpu.memory_space<hbm>>
        %dma_wait3A_22 = tpu.memref_squeeze %dma_wait3A_21 : memref<1x250x80xi32, #tpu.memory_space<hbm>> -> memref<250x80xi32, #tpu.memory_space<hbm>>
        %dma_wait3A_23 = arith.constant 0 : i32
        %dma_wait3A_24 = arith.constant 0 : i32
        %dma_wait3A_25 = tpu.memref_slice %arg2[%arg1, %dma_wait3A_23, %dma_wait3A_24] : memref<16x250x80xi32, #tpu.memory_space<hbm>> -> memref<1x250x80xi32, #tpu.memory_space<hbm>>
        %dma_wait3A_26 = tpu.memref_squeeze %dma_wait3A_25 : memref<1x250x80xi32, #tpu.memory_space<hbm>> -> memref<250x80xi32, #tpu.memory_space<hbm>>
        tpu.wait_dma2 semaphore(%run_scoped3A : memref<!tpu.dma_semaphore, #tpu.memory_space<semaphore_mem>>) src(%dma_wait3A_26 : memref<250x80xi32, #tpu.memory_space<hbm>>) dst(%arg11 : memref<250x80xi32, #tpu.memory_space<vmem>>)
        tpu.yield
      }) : () -> ()
    } else {
    }
    %barrier3A = arith.constant 0 : index
    tpu.barrier barrier_id(%barrier3A)
    %scan3A = arith.constant 0 : i32
    %scan3A_7 = arith.constant 0 : i32
    %scan3A_8 = arith.constant 250 : i32
    %scan3A_9 = arith.addi %scan3A_7, %scan3A_8 : i32
    %scan3A_10 = arith.constant 1 : i32
    scf.for %scan3A_13 = %scan3A_7 to %scan3A_9 step %scan3A_10  : i32 {
      %dma_start3A = arith.constant 0 : i32
      %dma_start3A_14 = tpu.memref_slice %arg10[%scan3A_13, %dma_start3A] : memref<250x80xi32, #tpu.memory_space<vmem>> -> memref<1x80xi32, #tpu.memory_space<vmem>>
      %dma_start3A_15 = tpu.memref_squeeze %dma_start3A_14 : memref<1x80xi32, #tpu.memory_space<vmem>> -> memref<80xi32, #tpu.memory_space<vmem>>
      %dma_start3A_16 = arith.constant 0 : i32
      %dma_start3A_17 = arith.constant 0 : i32
      %dma_start3A_18 = tpu.memref_slice %arg4[%dma_start3A_16, %dma_start3A_17] : memref<10000x64xf32, #tpu.memory_space<hbm>> -> memref<10000x64xf32, #tpu.memory_space<hbm>>
      tpu.enqueue_indirect_dma source(%dma_start3A_18 : memref<10000x64xf32, #tpu.memory_space<hbm>>) target(%arg12 : memref<80x64xf32, #tpu.memory_space<vmem>>) offsets(%dma_start3A_15 : memref<80xi32, #tpu.memory_space<vmem>>) semaphore(%arg13 : memref<!tpu.dma_semaphore, #tpu.memory_space<semaphore_mem>>)
      %dma_wait3A = arith.constant 0 : i32
      %dma_wait3A_19 = tpu.memref_slice %arg10[%scan3A_13, %dma_wait3A] : memref<250x80xi32, #tpu.memory_space<vmem>> -> memref<1x80xi32, #tpu.memory_space<vmem>>
      %dma_wait3A_20 = tpu.memref_squeeze %dma_wait3A_19 : memref<1x80xi32, #tpu.memory_space<vmem>> -> memref<80xi32, #tpu.memory_space<vmem>>
      %dma_wait3A_21 = arith.constant 0 : i32
      %dma_wait3A_22 = arith.constant 0 : i32
      %dma_wait3A_23 = tpu.memref_slice %arg4[%dma_wait3A_21, %dma_wait3A_22] : memref<10000x64xf32, #tpu.memory_space<hbm>> -> memref<10000x64xf32, #tpu.memory_space<hbm>>
      tpu.wait_indirect_dma semaphore(%arg13 : memref<!tpu.dma_semaphore, #tpu.memory_space<semaphore_mem>>) src(%dma_wait3A_23 : memref<10000x64xf32, #tpu.memory_space<hbm>>) dst(%arg12 : memref<80x64xf32, #tpu.memory_space<vmem>>)
      "tpu.region"() ({
        %run_scoped3A = tpu.sem_alloc : memref<!tpu.dma_semaphore, #tpu.memory_space<semaphore_mem>>
        %dma_start3A_24 = arith.constant 0 : i32
        %dma_start3A_25 = tpu.memref_slice %arg11[%scan3A_13, %dma_start3A_24] : memref<250x80xi32, #tpu.memory_space<vmem>> -> memref<1x80xi32, #tpu.memory_space<vmem>>
        %dma_start3A_26 = tpu.memref_squeeze %dma_start3A_25 : memref<1x80xi32, #tpu.memory_space<vmem>> -> memref<80xi32, #tpu.memory_space<vmem>>
        %dma_start3A_27 = arith.constant 0 : i32
        %dma_start3A_28 = arith.constant 0 : i32
        %dma_start3A_29 = tpu.memref_slice %arg14[%dma_start3A_27, %dma_start3A_28] : memref<10240x64xf32, #tpu.memory_space<vmem_shared>> -> memref<10240x64xf32, #tpu.memory_space<vmem_shared>>
        tpu.enqueue_indirect_dma source(%arg12 : memref<80x64xf32, #tpu.memory_space<vmem>>) target(%dma_start3A_29 : memref<10240x64xf32, #tpu.memory_space<vmem_shared>>) offsets(%dma_start3A_26 : memref<80xi32, #tpu.memory_space<vmem>>) semaphore(%run_scoped3A : memref<!tpu.dma_semaphore, #tpu.memory_space<semaphore_mem>>) {add = true}
        %dma_wait3A_30 = arith.constant 0 : i32
        %dma_wait3A_31 = tpu.memref_slice %arg11[%scan3A_13, %dma_wait3A_30] : memref<250x80xi32, #tpu.memory_space<vmem>> -> memref<1x80xi32, #tpu.memory_space<vmem>>
        %dma_wait3A_32 = tpu.memref_squeeze %dma_wait3A_31 : memref<1x80xi32, #tpu.memory_space<vmem>> -> memref<80xi32, #tpu.memory_space<vmem>>
        %dma_wait3A_33 = arith.constant 0 : i32
        %dma_wait3A_34 = arith.constant 0 : i32
        %dma_wait3A_35 = tpu.memref_slice %arg14[%dma_wait3A_33, %dma_wait3A_34] : memref<10240x64xf32, #tpu.memory_space<vmem_shared>> -> memref<10240x64xf32, #tpu.memory_space<vmem_shared>>
        tpu.wait_indirect_dma semaphore(%run_scoped3A : memref<!tpu.dma_semaphore, #tpu.memory_space<semaphore_mem>>) src(%arg12 : memref<80x64xf32, #tpu.memory_space<vmem>>) dst(%dma_wait3A_35 : memref<10240x64xf32, #tpu.memory_space<vmem_shared>>)
        tpu.yield
      }) : () -> ()
      "tpu.region"() ({
        %run_scoped3A = tpu.sem_alloc : memref<!tpu.dma_semaphore, #tpu.memory_space<semaphore_mem>>
        %dma_start3A_24 = arith.constant 0 : i32
        %dma_start3A_25 = tpu.memref_slice %arg11[%scan3A_13, %dma_start3A_24] : memref<250x80xi32, #tpu.memory_space<vmem>> -> memref<1x80xi32, #tpu.memory_space<vmem>>
        %dma_start3A_26 = tpu.memref_squeeze %dma_start3A_25 : memref<1x80xi32, #tpu.memory_space<vmem>> -> memref<80xi32, #tpu.memory_space<vmem>>
        %dma_start3A_27 = arith.constant 0 : i32
        %dma_start3A_28 = arith.constant 0 : i32
        %dma_start3A_29 = tpu.memref_slice %arg16[%dma_start3A_27, %dma_start3A_28] : memref<10240x16xf32, #tpu.memory_space<vmem_shared>> -> memref<10240x16xf32, #tpu.memory_space<vmem_shared>>
        tpu.enqueue_indirect_dma source(%arg15 : memref<80x16xf32, #tpu.memory_space<vmem>>) target(%dma_start3A_29 : memref<10240x16xf32, #tpu.memory_space<vmem_shared>>) offsets(%dma_start3A_26 : memref<80xi32, #tpu.memory_space<vmem>>) semaphore(%run_scoped3A : memref<!tpu.dma_semaphore, #tpu.memory_space<semaphore_mem>>) {add = true}
        %dma_wait3A_30 = arith.constant 0 : i32
        %dma_wait3A_31 = tpu.memref_slice %arg11[%scan3A_13, %dma_wait3A_30] : memref<250x80xi32, #tpu.memory_space<vmem>> -> memref<1x80xi32, #tpu.memory_space<vmem>>
        %dma_wait3A_32 = tpu.memref_squeeze %dma_wait3A_31 : memref<1x80xi32, #tpu.memory_space<vmem>> -> memref<80xi32, #tpu.memory_space<vmem>>
        %dma_wait3A_33 = arith.constant 0 : i32
        %dma_wait3A_34 = arith.constant 0 : i32
        %dma_wait3A_35 = tpu.memref_slice %arg16[%dma_wait3A_33, %dma_wait3A_34] : memref<10240x16xf32, #tpu.memory_space<vmem_shared>> -> memref<10240x16xf32, #tpu.memory_space<vmem_shared>>
        tpu.wait_indirect_dma semaphore(%run_scoped3A : memref<!tpu.dma_semaphore, #tpu.memory_space<semaphore_mem>>) src(%arg15 : memref<80x16xf32, #tpu.memory_space<vmem>>) dst(%dma_wait3A_35 : memref<10240x16xf32, #tpu.memory_space<vmem_shared>>)
        tpu.yield
      }) : () -> ()
    }
    %scan3A_11 = arith.constant 250 : i32
    %barrier3A_12 = arith.constant 0 : index
    tpu.barrier barrier_id(%barrier3A_12)
    "tpu.region"() ({
      %run_scoped3A = tpu.sem_alloc : memref<!tpu.dma_semaphore, #tpu.memory_space<semaphore_mem>>
      %dma_start3A = arith.constant 0 : i32
      %dma_start3A_13 = tpu.memref_slice %arg8[%arg0, %mul3A_0, %dma_start3A] : memref<2x10240x64xf32, #tpu.memory_space<hbm>> -> memref<1x640x64xf32, #tpu.memory_space<hbm>>
      %dma_start3A_14 = tpu.memref_squeeze %dma_start3A_13 : memref<1x640x64xf32, #tpu.memory_space<hbm>> -> memref<640x64xf32, #tpu.memory_space<hbm>>
      %dma_start3A_15 = arith.constant 0 : i32
      %dma_start3A_16 = tpu.memref_slice %arg14[%mul3A_0, %dma_start3A_15] : memref<10240x64xf32, #tpu.memory_space<vmem_shared>> -> memref<640x64xf32, #tpu.memory_space<vmem_shared>>
      tpu.enqueue_dma source(%dma_start3A_16 : memref<640x64xf32, #tpu.memory_space<vmem_shared>>) target(%dma_start3A_14 : memref<640x64xf32, #tpu.memory_space<hbm>>) target_semaphore(%run_scoped3A : memref<!tpu.dma_semaphore, #tpu.memory_space<semaphore_mem>>)
      %dma_wait3A = arith.constant 0 : i32
      %dma_wait3A_17 = tpu.memref_slice %arg8[%arg0, %mul3A_0, %dma_wait3A] : memref<2x10240x64xf32, #tpu.memory_space<hbm>> -> memref<1x640x64xf32, #tpu.memory_space<hbm>>
      %dma_wait3A_18 = tpu.memref_squeeze %dma_wait3A_17 : memref<1x640x64xf32, #tpu.memory_space<hbm>> -> memref<640x64xf32, #tpu.memory_space<hbm>>
      %dma_wait3A_19 = arith.constant 0 : i32
      %dma_wait3A_20 = tpu.memref_slice %arg14[%mul3A_0, %dma_wait3A_19] : memref<10240x64xf32, #tpu.memory_space<vmem_shared>> -> memref<640x64xf32, #tpu.memory_space<vmem_shared>>
      tpu.wait_dma2 semaphore(%run_scoped3A : memref<!tpu.dma_semaphore, #tpu.memory_space<semaphore_mem>>) src(%dma_wait3A_20 : memref<640x64xf32, #tpu.memory_space<vmem_shared>>) dst(%dma_wait3A_18 : memref<640x64xf32, #tpu.memory_space<hbm>>)
      tpu.yield
    }) : () -> ()
    "tpu.region"() ({
      %run_scoped3A = tpu.sem_alloc : memref<!tpu.dma_semaphore, #tpu.memory_space<semaphore_mem>>
      %dma_start3A = arith.constant 0 : i32
      %dma_start3A_13 = tpu.memref_slice %arg9[%arg0, %mul3A_0, %dma_start3A] : memref<2x10240x16xf32, #tpu.memory_space<hbm>> -> memref<1x640x16xf32, #tpu.memory_space<hbm>>
      %dma_start3A_14 = tpu.memref_squeeze %dma_start3A_13 : memref<1x640x16xf32, #tpu.memory_space<hbm>> -> memref<640x16xf32, #tpu.memory_space<hbm>>
      %dma_start3A_15 = arith.constant 0 : i32
      %dma_start3A_16 = tpu.memref_slice %arg16[%mul3A_0, %dma_start3A_15] : memref<10240x16xf32, #tpu.memory_space<vmem_shared>> -> memref<640x16xf32, #tpu.memory_space<vmem_shared>>
      tpu.enqueue_dma source(%dma_start3A_16 : memref<640x16xf32, #tpu.memory_space<vmem_shared>>) target(%dma_start3A_14 : memref<640x16xf32, #tpu.memory_space<hbm>>) target_semaphore(%run_scoped3A : memref<!tpu.dma_semaphore, #tpu.memory_space<semaphore_mem>>)
      %dma_wait3A = arith.constant 0 : i32
      %dma_wait3A_17 = tpu.memref_slice %arg9[%arg0, %mul3A_0, %dma_wait3A] : memref<2x10240x16xf32, #tpu.memory_space<hbm>> -> memref<1x640x16xf32, #tpu.memory_space<hbm>>
      %dma_wait3A_18 = tpu.memref_squeeze %dma_wait3A_17 : memref<1x640x16xf32, #tpu.memory_space<hbm>> -> memref<640x16xf32, #tpu.memory_space<hbm>>
      %dma_wait3A_19 = arith.constant 0 : i32
      %dma_wait3A_20 = tpu.memref_slice %arg16[%mul3A_0, %dma_wait3A_19] : memref<10240x16xf32, #tpu.memory_space<vmem_shared>> -> memref<640x16xf32, #tpu.memory_space<vmem_shared>>
      tpu.wait_dma2 semaphore(%run_scoped3A : memref<!tpu.dma_semaphore, #tpu.memory_space<semaphore_mem>>) src(%dma_wait3A_20 : memref<640x16xf32, #tpu.memory_space<vmem_shared>>) dst(%dma_wait3A_18 : memref<640x16xf32, #tpu.memory_space<hbm>>)
      tpu.yield
    }) : () -> ()
    return
  }
}

#map = affine_map<(d0, d1) -> (0, 0, 0)>
#map1 = affine_map<(d0, d1) -> (0, 0)>
module attributes {stable_mosaic.version = 14 : i64} {
  func.func @seg(%arg0: i32, %arg1: i32, %arg2: memref<16x250x80xi32, #tpu.memory_space<hbm>>, %arg3: memref<16x250x80xi32, #tpu.memory_space<hbm>>, %arg4: memref<10000x64xf32, #tpu.memory_space<hbm>>, %arg5: memref<10240x64xf32, #tpu.memory_space<hbm>>, %arg6: memref<2x10240x64xf32, #tpu.memory_space<hbm>>, %arg7: memref<250x80xi32, #tpu.memory_space<vmem>>, %arg8: memref<250x80xi32, #tpu.memory_space<vmem>>, %arg9: memref<80x64xf32, #tpu.memory_space<vmem>>, %arg10: memref<!tpu.dma_semaphore, #tpu.memory_space<semaphore_mem>>, %arg11: memref<10240x64xf32, #tpu.memory_space<vmem_shared>>) attributes {dimension_semantics = [#tpu.dimension_semantics<core_parallel>, #tpu.dimension_semantics<subcore_parallel>], iteration_bounds = array<i64: 2, 16>, scalar_prefetch = 0 : i64, scratch_operands = 5 : i64, tpu.core_type = #tpu.core_type<sc_vector_subcore>, window_params = [{transform_indices = #map}, {transform_indices = #map}, {transform_indices = #map1}, {transform_indices = #map1}, {transform_indices = #map}]} {
    %mul3A = arith.constant 640 : i32
    %mul3A_0 = arith.muli %arg1, %mul3A : i32
    "tpu.region"() ({
      %run_scoped3A = tpu.sem_alloc : memref<!tpu.dma_semaphore, #tpu.memory_space<semaphore_mem>>
      %dma_start3A = arith.constant 0 : i32
      %dma_start3A_13 = tpu.memref_slice %arg11[%mul3A_0, %dma_start3A] : memref<10240x64xf32, #tpu.memory_space<vmem_shared>> -> memref<640x64xf32, #tpu.memory_space<vmem_shared>>
      %dma_start3A_14 = arith.constant 0 : i32
      %dma_start3A_15 = tpu.memref_slice %arg5[%mul3A_0, %dma_start3A_14] : memref<10240x64xf32, #tpu.memory_space<hbm>> -> memref<640x64xf32, #tpu.memory_space<hbm>>
      tpu.enqueue_dma source(%dma_start3A_15 : memref<640x64xf32, #tpu.memory_space<hbm>>) target(%dma_start3A_13 : memref<640x64xf32, #tpu.memory_space<vmem_shared>>) target_semaphore(%run_scoped3A : memref<!tpu.dma_semaphore, #tpu.memory_space<semaphore_mem>>)
      %dma_wait3A = arith.constant 0 : i32
      %dma_wait3A_16 = tpu.memref_slice %arg11[%mul3A_0, %dma_wait3A] : memref<10240x64xf32, #tpu.memory_space<vmem_shared>> -> memref<640x64xf32, #tpu.memory_space<vmem_shared>>
      %dma_wait3A_17 = arith.constant 0 : i32
      %dma_wait3A_18 = tpu.memref_slice %arg5[%mul3A_0, %dma_wait3A_17] : memref<10240x64xf32, #tpu.memory_space<hbm>> -> memref<640x64xf32, #tpu.memory_space<hbm>>
      tpu.wait_dma2 semaphore(%run_scoped3A : memref<!tpu.dma_semaphore, #tpu.memory_space<semaphore_mem>>) src(%dma_wait3A_18 : memref<640x64xf32, #tpu.memory_space<hbm>>) dst(%dma_wait3A_16 : memref<640x64xf32, #tpu.memory_space<vmem_shared>>)
      tpu.yield
    }) : () -> ()
    %eq3A = arith.constant 0 : i32
    %eq3A_1 = arith.cmpi eq, %arg0, %eq3A : i32
    %convert_element_type3A = arith.extui %eq3A_1 : i1 to i32
    %cond3A = arith.constant 0 : i32
    %cond3A_2 = arith.cmpi ne, %convert_element_type3A, %cond3A : i32
    scf.if %cond3A_2 {
      "tpu.region"() ({
        %run_scoped3A = tpu.sem_alloc : memref<!tpu.dma_semaphore, #tpu.memory_space<semaphore_mem>>
        %dma_start3A = arith.constant 0 : i32
        %dma_start3A_13 = arith.constant 0 : i32
        %dma_start3A_14 = tpu.memref_slice %arg2[%arg1, %dma_start3A, %dma_start3A_13] : memref<16x250x80xi32, #tpu.memory_space<hbm>> -> memref<1x250x80xi32, #tpu.memory_space<hbm>>
        %dma_start3A_15 = tpu.memref_squeeze %dma_start3A_14 : memref<1x250x80xi32, #tpu.memory_space<hbm>> -> memref<250x80xi32, #tpu.memory_space<hbm>>
        %dma_start3A_16 = arith.constant 0 : i32
        %dma_start3A_17 = arith.constant 0 : i32
        %dma_start3A_18 = tpu.memref_slice %arg2[%arg1, %dma_start3A_16, %dma_start3A_17] : memref<16x250x80xi32, #tpu.memory_space<hbm>> -> memref<1x250x80xi32, #tpu.memory_space<hbm>>
        %dma_start3A_19 = tpu.memref_squeeze %dma_start3A_18 : memref<1x250x80xi32, #tpu.memory_space<hbm>> -> memref<250x80xi32, #tpu.memory_space<hbm>>
        tpu.enqueue_dma source(%dma_start3A_19 : memref<250x80xi32, #tpu.memory_space<hbm>>) target(%arg7 : memref<250x80xi32, #tpu.memory_space<vmem>>) target_semaphore(%run_scoped3A : memref<!tpu.dma_semaphore, #tpu.memory_space<semaphore_mem>>)
        %dma_wait3A = arith.constant 0 : i32
        %dma_wait3A_20 = arith.constant 0 : i32
        %dma_wait3A_21 = tpu.memref_slice %arg2[%arg1, %dma_wait3A, %dma_wait3A_20] : memref<16x250x80xi32, #tpu.memory_space<hbm>> -> memref<1x250x80xi32, #tpu.memory_space<hbm>>
        %dma_wait3A_22 = tpu.memref_squeeze %dma_wait3A_21 : memref<1x250x80xi32, #tpu.memory_space<hbm>> -> memref<250x80xi32, #tpu.memory_space<hbm>>
        %dma_wait3A_23 = arith.constant 0 : i32
        %dma_wait3A_24 = arith.constant 0 : i32
        %dma_wait3A_25 = tpu.memref_slice %arg2[%arg1, %dma_wait3A_23, %dma_wait3A_24] : memref<16x250x80xi32, #tpu.memory_space<hbm>> -> memref<1x250x80xi32, #tpu.memory_space<hbm>>
        %dma_wait3A_26 = tpu.memref_squeeze %dma_wait3A_25 : memref<1x250x80xi32, #tpu.memory_space<hbm>> -> memref<250x80xi32, #tpu.memory_space<hbm>>
        tpu.wait_dma2 semaphore(%run_scoped3A : memref<!tpu.dma_semaphore, #tpu.memory_space<semaphore_mem>>) src(%dma_wait3A_26 : memref<250x80xi32, #tpu.memory_space<hbm>>) dst(%arg7 : memref<250x80xi32, #tpu.memory_space<vmem>>)
        tpu.yield
      }) : () -> ()
      "tpu.region"() ({
        %run_scoped3A = tpu.sem_alloc : memref<!tpu.dma_semaphore, #tpu.memory_space<semaphore_mem>>
        %dma_start3A = arith.constant 0 : i32
        %dma_start3A_13 = arith.constant 0 : i32
        %dma_start3A_14 = tpu.memref_slice %arg3[%arg1, %dma_start3A, %dma_start3A_13] : memref<16x250x80xi32, #tpu.memory_space<hbm>> -> memref<1x250x80xi32, #tpu.memory_space<hbm>>
        %dma_start3A_15 = tpu.memref_squeeze %dma_start3A_14 : memref<1x250x80xi32, #tpu.memory_space<hbm>> -> memref<250x80xi32, #tpu.memory_space<hbm>>
        %dma_start3A_16 = arith.constant 0 : i32
        %dma_start3A_17 = arith.constant 0 : i32
        %dma_start3A_18 = tpu.memref_slice %arg3[%arg1, %dma_start3A_16, %dma_start3A_17] : memref<16x250x80xi32, #tpu.memory_space<hbm>> -> memref<1x250x80xi32, #tpu.memory_space<hbm>>
        %dma_start3A_19 = tpu.memref_squeeze %dma_start3A_18 : memref<1x250x80xi32, #tpu.memory_space<hbm>> -> memref<250x80xi32, #tpu.memory_space<hbm>>
        tpu.enqueue_dma source(%dma_start3A_19 : memref<250x80xi32, #tpu.memory_space<hbm>>) target(%arg8 : memref<250x80xi32, #tpu.memory_space<vmem>>) target_semaphore(%run_scoped3A : memref<!tpu.dma_semaphore, #tpu.memory_space<semaphore_mem>>)
        %dma_wait3A = arith.constant 0 : i32
        %dma_wait3A_20 = arith.constant 0 : i32
        %dma_wait3A_21 = tpu.memref_slice %arg3[%arg1, %dma_wait3A, %dma_wait3A_20] : memref<16x250x80xi32, #tpu.memory_space<hbm>> -> memref<1x250x80xi32, #tpu.memory_space<hbm>>
        %dma_wait3A_22 = tpu.memref_squeeze %dma_wait3A_21 : memref<1x250x80xi32, #tpu.memory_space<hbm>> -> memref<250x80xi32, #tpu.memory_space<hbm>>
        %dma_wait3A_23 = arith.constant 0 : i32
        %dma_wait3A_24 = arith.constant 0 : i32
        %dma_wait3A_25 = tpu.memref_slice %arg3[%arg1, %dma_wait3A_23, %dma_wait3A_24] : memref<16x250x80xi32, #tpu.memory_space<hbm>> -> memref<1x250x80xi32, #tpu.memory_space<hbm>>
        %dma_wait3A_26 = tpu.memref_squeeze %dma_wait3A_25 : memref<1x250x80xi32, #tpu.memory_space<hbm>> -> memref<250x80xi32, #tpu.memory_space<hbm>>
        tpu.wait_dma2 semaphore(%run_scoped3A : memref<!tpu.dma_semaphore, #tpu.memory_space<semaphore_mem>>) src(%dma_wait3A_26 : memref<250x80xi32, #tpu.memory_space<hbm>>) dst(%arg8 : memref<250x80xi32, #tpu.memory_space<vmem>>)
        tpu.yield
      }) : () -> ()
    } else {
    }
    %ne3A = arith.constant 0 : i32
    %ne3A_3 = arith.cmpi ne, %arg0, %ne3A : i32
    %convert_element_type3A_4 = arith.extui %ne3A_3 : i1 to i32
    %cond3A_5 = arith.constant 0 : i32
    %cond3A_6 = arith.cmpi ne, %convert_element_type3A_4, %cond3A_5 : i32
    scf.if %cond3A_6 {
      "tpu.region"() ({
        %run_scoped3A = tpu.sem_alloc : memref<!tpu.dma_semaphore, #tpu.memory_space<semaphore_mem>>
        %dma_start3A = arith.constant 0 : i32
        %dma_start3A_13 = arith.constant 0 : i32
        %dma_start3A_14 = tpu.memref_slice %arg3[%arg1, %dma_start3A, %dma_start3A_13] : memref<16x250x80xi32, #tpu.memory_space<hbm>> -> memref<1x250x80xi32, #tpu.memory_space<hbm>>
        %dma_start3A_15 = tpu.memref_squeeze %dma_start3A_14 : memref<1x250x80xi32, #tpu.memory_space<hbm>> -> memref<250x80xi32, #tpu.memory_space<hbm>>
        %dma_start3A_16 = arith.constant 0 : i32
        %dma_start3A_17 = arith.constant 0 : i32
        %dma_start3A_18 = tpu.memref_slice %arg3[%arg1, %dma_start3A_16, %dma_start3A_17] : memref<16x250x80xi32, #tpu.memory_space<hbm>> -> memref<1x250x80xi32, #tpu.memory_space<hbm>>
        %dma_start3A_19 = tpu.memref_squeeze %dma_start3A_18 : memref<1x250x80xi32, #tpu.memory_space<hbm>> -> memref<250x80xi32, #tpu.memory_space<hbm>>
        tpu.enqueue_dma source(%dma_start3A_19 : memref<250x80xi32, #tpu.memory_space<hbm>>) target(%arg7 : memref<250x80xi32, #tpu.memory_space<vmem>>) target_semaphore(%run_scoped3A : memref<!tpu.dma_semaphore, #tpu.memory_space<semaphore_mem>>)
        %dma_wait3A = arith.constant 0 : i32
        %dma_wait3A_20 = arith.constant 0 : i32
        %dma_wait3A_21 = tpu.memref_slice %arg3[%arg1, %dma_wait3A, %dma_wait3A_20] : memref<16x250x80xi32, #tpu.memory_space<hbm>> -> memref<1x250x80xi32, #tpu.memory_space<hbm>>
        %dma_wait3A_22 = tpu.memref_squeeze %dma_wait3A_21 : memref<1x250x80xi32, #tpu.memory_space<hbm>> -> memref<250x80xi32, #tpu.memory_space<hbm>>
        %dma_wait3A_23 = arith.constant 0 : i32
        %dma_wait3A_24 = arith.constant 0 : i32
        %dma_wait3A_25 = tpu.memref_slice %arg3[%arg1, %dma_wait3A_23, %dma_wait3A_24] : memref<16x250x80xi32, #tpu.memory_space<hbm>> -> memref<1x250x80xi32, #tpu.memory_space<hbm>>
        %dma_wait3A_26 = tpu.memref_squeeze %dma_wait3A_25 : memref<1x250x80xi32, #tpu.memory_space<hbm>> -> memref<250x80xi32, #tpu.memory_space<hbm>>
        tpu.wait_dma2 semaphore(%run_scoped3A : memref<!tpu.dma_semaphore, #tpu.memory_space<semaphore_mem>>) src(%dma_wait3A_26 : memref<250x80xi32, #tpu.memory_space<hbm>>) dst(%arg7 : memref<250x80xi32, #tpu.memory_space<vmem>>)
        tpu.yield
      }) : () -> ()
      "tpu.region"() ({
        %run_scoped3A = tpu.sem_alloc : memref<!tpu.dma_semaphore, #tpu.memory_space<semaphore_mem>>
        %dma_start3A = arith.constant 0 : i32
        %dma_start3A_13 = arith.constant 0 : i32
        %dma_start3A_14 = tpu.memref_slice %arg2[%arg1, %dma_start3A, %dma_start3A_13] : memref<16x250x80xi32, #tpu.memory_space<hbm>> -> memref<1x250x80xi32, #tpu.memory_space<hbm>>
        %dma_start3A_15 = tpu.memref_squeeze %dma_start3A_14 : memref<1x250x80xi32, #tpu.memory_space<hbm>> -> memref<250x80xi32, #tpu.memory_space<hbm>>
        %dma_start3A_16 = arith.constant 0 : i32
        %dma_start3A_17 = arith.constant 0 : i32
        %dma_start3A_18 = tpu.memref_slice %arg2[%arg1, %dma_start3A_16, %dma_start3A_17] : memref<16x250x80xi32, #tpu.memory_space<hbm>> -> memref<1x250x80xi32, #tpu.memory_space<hbm>>
        %dma_start3A_19 = tpu.memref_squeeze %dma_start3A_18 : memref<1x250x80xi32, #tpu.memory_space<hbm>> -> memref<250x80xi32, #tpu.memory_space<hbm>>
        tpu.enqueue_dma source(%dma_start3A_19 : memref<250x80xi32, #tpu.memory_space<hbm>>) target(%arg8 : memref<250x80xi32, #tpu.memory_space<vmem>>) target_semaphore(%run_scoped3A : memref<!tpu.dma_semaphore, #tpu.memory_space<semaphore_mem>>)
        %dma_wait3A = arith.constant 0 : i32
        %dma_wait3A_20 = arith.constant 0 : i32
        %dma_wait3A_21 = tpu.memref_slice %arg2[%arg1, %dma_wait3A, %dma_wait3A_20] : memref<16x250x80xi32, #tpu.memory_space<hbm>> -> memref<1x250x80xi32, #tpu.memory_space<hbm>>
        %dma_wait3A_22 = tpu.memref_squeeze %dma_wait3A_21 : memref<1x250x80xi32, #tpu.memory_space<hbm>> -> memref<250x80xi32, #tpu.memory_space<hbm>>
        %dma_wait3A_23 = arith.constant 0 : i32
        %dma_wait3A_24 = arith.constant 0 : i32
        %dma_wait3A_25 = tpu.memref_slice %arg2[%arg1, %dma_wait3A_23, %dma_wait3A_24] : memref<16x250x80xi32, #tpu.memory_space<hbm>> -> memref<1x250x80xi32, #tpu.memory_space<hbm>>
        %dma_wait3A_26 = tpu.memref_squeeze %dma_wait3A_25 : memref<1x250x80xi32, #tpu.memory_space<hbm>> -> memref<250x80xi32, #tpu.memory_space<hbm>>
        tpu.wait_dma2 semaphore(%run_scoped3A : memref<!tpu.dma_semaphore, #tpu.memory_space<semaphore_mem>>) src(%dma_wait3A_26 : memref<250x80xi32, #tpu.memory_space<hbm>>) dst(%arg8 : memref<250x80xi32, #tpu.memory_space<vmem>>)
        tpu.yield
      }) : () -> ()
    } else {
    }
    %barrier3A = arith.constant 0 : index
    tpu.barrier barrier_id(%barrier3A)
    %scan3A = arith.constant 0 : i32
    %scan3A_7 = arith.constant 0 : i32
    %scan3A_8 = arith.constant 250 : i32
    %scan3A_9 = arith.addi %scan3A_7, %scan3A_8 : i32
    %scan3A_10 = arith.constant 1 : i32
    scf.for %scan3A_13 = %scan3A_7 to %scan3A_9 step %scan3A_10  : i32 {
      %dma_start3A = arith.constant 0 : i32
      %dma_start3A_14 = tpu.memref_slice %arg7[%scan3A_13, %dma_start3A] : memref<250x80xi32, #tpu.memory_space<vmem>> -> memref<1x80xi32, #tpu.memory_space<vmem>>
      %dma_start3A_15 = tpu.memref_squeeze %dma_start3A_14 : memref<1x80xi32, #tpu.memory_space<vmem>> -> memref<80xi32, #tpu.memory_space<vmem>>
      %dma_start3A_16 = arith.constant 0 : i32
      %dma_start3A_17 = arith.constant 0 : i32
      %dma_start3A_18 = tpu.memref_slice %arg4[%dma_start3A_16, %dma_start3A_17] : memref<10000x64xf32, #tpu.memory_space<hbm>> -> memref<10000x64xf32, #tpu.memory_space<hbm>>
      tpu.enqueue_indirect_dma source(%dma_start3A_18 : memref<10000x64xf32, #tpu.memory_space<hbm>>) target(%arg9 : memref<80x64xf32, #tpu.memory_space<vmem>>) offsets(%dma_start3A_15 : memref<80xi32, #tpu.memory_space<vmem>>) semaphore(%arg10 : memref<!tpu.dma_semaphore, #tpu.memory_space<semaphore_mem>>)
      %dma_wait3A = arith.constant 0 : i32
      %dma_wait3A_19 = tpu.memref_slice %arg7[%scan3A_13, %dma_wait3A] : memref<250x80xi32, #tpu.memory_space<vmem>> -> memref<1x80xi32, #tpu.memory_space<vmem>>
      %dma_wait3A_20 = tpu.memref_squeeze %dma_wait3A_19 : memref<1x80xi32, #tpu.memory_space<vmem>> -> memref<80xi32, #tpu.memory_space<vmem>>
      %dma_wait3A_21 = arith.constant 0 : i32
      %dma_wait3A_22 = arith.constant 0 : i32
      %dma_wait3A_23 = tpu.memref_slice %arg4[%dma_wait3A_21, %dma_wait3A_22] : memref<10000x64xf32, #tpu.memory_space<hbm>> -> memref<10000x64xf32, #tpu.memory_space<hbm>>
      tpu.wait_indirect_dma semaphore(%arg10 : memref<!tpu.dma_semaphore, #tpu.memory_space<semaphore_mem>>) src(%dma_wait3A_23 : memref<10000x64xf32, #tpu.memory_space<hbm>>) dst(%arg9 : memref<80x64xf32, #tpu.memory_space<vmem>>)
      "tpu.region"() ({
        %run_scoped3A = tpu.sem_alloc : memref<!tpu.dma_semaphore, #tpu.memory_space<semaphore_mem>>
        %dma_start3A_24 = arith.constant 0 : i32
        %dma_start3A_25 = tpu.memref_slice %arg8[%scan3A_13, %dma_start3A_24] : memref<250x80xi32, #tpu.memory_space<vmem>> -> memref<1x80xi32, #tpu.memory_space<vmem>>
        %dma_start3A_26 = tpu.memref_squeeze %dma_start3A_25 : memref<1x80xi32, #tpu.memory_space<vmem>> -> memref<80xi32, #tpu.memory_space<vmem>>
        %dma_start3A_27 = arith.constant 0 : i32
        %dma_start3A_28 = arith.constant 0 : i32
        %dma_start3A_29 = tpu.memref_slice %arg11[%dma_start3A_27, %dma_start3A_28] : memref<10240x64xf32, #tpu.memory_space<vmem_shared>> -> memref<10240x64xf32, #tpu.memory_space<vmem_shared>>
        tpu.enqueue_indirect_dma source(%arg9 : memref<80x64xf32, #tpu.memory_space<vmem>>) target(%dma_start3A_29 : memref<10240x64xf32, #tpu.memory_space<vmem_shared>>) offsets(%dma_start3A_26 : memref<80xi32, #tpu.memory_space<vmem>>) semaphore(%run_scoped3A : memref<!tpu.dma_semaphore, #tpu.memory_space<semaphore_mem>>) {add = true}
        %dma_wait3A_30 = arith.constant 0 : i32
        %dma_wait3A_31 = tpu.memref_slice %arg8[%scan3A_13, %dma_wait3A_30] : memref<250x80xi32, #tpu.memory_space<vmem>> -> memref<1x80xi32, #tpu.memory_space<vmem>>
        %dma_wait3A_32 = tpu.memref_squeeze %dma_wait3A_31 : memref<1x80xi32, #tpu.memory_space<vmem>> -> memref<80xi32, #tpu.memory_space<vmem>>
        %dma_wait3A_33 = arith.constant 0 : i32
        %dma_wait3A_34 = arith.constant 0 : i32
        %dma_wait3A_35 = tpu.memref_slice %arg11[%dma_wait3A_33, %dma_wait3A_34] : memref<10240x64xf32, #tpu.memory_space<vmem_shared>> -> memref<10240x64xf32, #tpu.memory_space<vmem_shared>>
        tpu.wait_indirect_dma semaphore(%run_scoped3A : memref<!tpu.dma_semaphore, #tpu.memory_space<semaphore_mem>>) src(%arg9 : memref<80x64xf32, #tpu.memory_space<vmem>>) dst(%dma_wait3A_35 : memref<10240x64xf32, #tpu.memory_space<vmem_shared>>)
        tpu.yield
      }) : () -> ()
    }
    %scan3A_11 = arith.constant 250 : i32
    %barrier3A_12 = arith.constant 0 : index
    tpu.barrier barrier_id(%barrier3A_12)
    "tpu.region"() ({
      %run_scoped3A = tpu.sem_alloc : memref<!tpu.dma_semaphore, #tpu.memory_space<semaphore_mem>>
      %dma_start3A = arith.constant 0 : i32
      %dma_start3A_13 = tpu.memref_slice %arg6[%arg0, %mul3A_0, %dma_start3A] : memref<2x10240x64xf32, #tpu.memory_space<hbm>> -> memref<1x640x64xf32, #tpu.memory_space<hbm>>
      %dma_start3A_14 = tpu.memref_squeeze %dma_start3A_13 : memref<1x640x64xf32, #tpu.memory_space<hbm>> -> memref<640x64xf32, #tpu.memory_space<hbm>>
      %dma_start3A_15 = arith.constant 0 : i32
      %dma_start3A_16 = tpu.memref_slice %arg11[%mul3A_0, %dma_start3A_15] : memref<10240x64xf32, #tpu.memory_space<vmem_shared>> -> memref<640x64xf32, #tpu.memory_space<vmem_shared>>
      tpu.enqueue_dma source(%dma_start3A_16 : memref<640x64xf32, #tpu.memory_space<vmem_shared>>) target(%dma_start3A_14 : memref<640x64xf32, #tpu.memory_space<hbm>>) target_semaphore(%run_scoped3A : memref<!tpu.dma_semaphore, #tpu.memory_space<semaphore_mem>>)
      %dma_wait3A = arith.constant 0 : i32
      %dma_wait3A_17 = tpu.memref_slice %arg6[%arg0, %mul3A_0, %dma_wait3A] : memref<2x10240x64xf32, #tpu.memory_space<hbm>> -> memref<1x640x64xf32, #tpu.memory_space<hbm>>
      %dma_wait3A_18 = tpu.memref_squeeze %dma_wait3A_17 : memref<1x640x64xf32, #tpu.memory_space<hbm>> -> memref<640x64xf32, #tpu.memory_space<hbm>>
      %dma_wait3A_19 = arith.constant 0 : i32
      %dma_wait3A_20 = tpu.memref_slice %arg11[%mul3A_0, %dma_wait3A_19] : memref<10240x64xf32, #tpu.memory_space<vmem_shared>> -> memref<640x64xf32, #tpu.memory_space<vmem_shared>>
      tpu.wait_dma2 semaphore(%run_scoped3A : memref<!tpu.dma_semaphore, #tpu.memory_space<semaphore_mem>>) src(%dma_wait3A_20 : memref<640x64xf32, #tpu.memory_space<vmem_shared>>) dst(%dma_wait3A_18 : memref<640x64xf32, #tpu.memory_space<hbm>>)
      tpu.yield
    }) : () -> ()
    return
  }
}

module attributes {stable_mosaic.version = 14 : i64} {
  func.func @_enc0_body(%arg0: i32, %arg1: memref<2000x128xf32, #tpu.memory_space<vmem>>, %arg2: memref<128x64xf32, #tpu.memory_space<vmem>>, %arg3: memref<1x64xf32, #tpu.memory_space<vmem>>, %arg4: memref<64x128xf32, #tpu.memory_space<vmem>>, %arg5: memref<1x128xf32, #tpu.memory_space<vmem>>, %arg6: memref<2000x64xf32, #tpu.memory_space<vmem>>, %arg7: memref<2000x128xf32, #tpu.memory_space<vmem>>) attributes {dimension_semantics = [#tpu.dimension_semantics<arbitrary>], iteration_bounds = array<i64: 5>, scalar_prefetch = 0 : i64, scratch_operands = 0 : i64, tpu.core_type = #tpu.core_type<tc>, window_params = [{transform_indices = @transform_0, window_bounds = array<i64: 2000, 128>}, {pipeline_mode = #tpu.pipeline_mode<synchronous>, transform_indices = @transform_1, window_bounds = array<i64: 128, 64>}, {pipeline_mode = #tpu.pipeline_mode<synchronous>, transform_indices = @transform_2, window_bounds = array<i64: 1, 64>}, {pipeline_mode = #tpu.pipeline_mode<synchronous>, transform_indices = @transform_3, window_bounds = array<i64: 64, 128>}, {pipeline_mode = #tpu.pipeline_mode<synchronous>, transform_indices = @transform_4, window_bounds = array<i64: 1, 128>}, {transform_indices = @transform_5, window_bounds = array<i64: 2000, 64>}, {transform_indices = @transform_6, window_bounds = array<i64: 2000, 128>}]} {
    %get3A = arith.constant 0 : index
    %get3A_0 = arith.constant 0 : index
    %get3A_1 = vector.load %arg1[%get3A, %get3A_0] : memref<2000x128xf32, #tpu.memory_space<vmem>>, vector<2000x128xf32>
    %get3A_2 = arith.constant 0 : index
    %get3A_3 = arith.constant 0 : index
    %get3A_4 = vector.load %arg2[%get3A_2, %get3A_3] : memref<128x64xf32, #tpu.memory_space<vmem>>, vector<128x64xf32>
    %dot_general3A = arith.constant dense<0.000000e+00> : vector<2000x64xf32>
    %dot_general3A_5 = tpu.matmul %get3A_1, %get3A_4, %dot_general3A {dimension_numbers = #tpu.dot_dimension_numbers<[1], [0], [0], [1], [0, 0, 1, 1], [], []>, transpose_lhs_hint = false} : vector<2000x128xf32>, vector<128x64xf32>, vector<2000x64xf32> -> vector<2000x64xf32>
    %get3A_6 = arith.constant 0 : index
    %get3A_7 = arith.constant 0 : index
    %get3A_8 = vector.load %arg3[%get3A_6, %get3A_7] : memref<1x64xf32, #tpu.memory_space<vmem>>, vector<1x64xf32>
    %add3A = vector.broadcast %get3A_8 : vector<1x64xf32> to vector<2000x64xf32>
    %add3A_9 = arith.addf %dot_general3A_5, %add3A : vector<2000x64xf32>
    %max3A = arith.constant 0.000000e+00 : f32
    %max3A_10 = vector.broadcast %max3A : f32 to vector<2000x64xf32>
    %max3A_11 = arith.maximumf %add3A_9, %max3A_10 : vector<2000x64xf32>
    %swap3A = arith.constant 0 : index
    %swap3A_12 = arith.constant 0 : index
    %swap3A_13 = vector.load %arg6[%swap3A, %swap3A_12] : memref<2000x64xf32, #tpu.memory_space<vmem>>, vector<2000x64xf32>
    tpu.vector_store %arg6[%swap3A, %swap3A_12], %max3A_11 {strides = array<i32>} : memref<2000x64xf32, #tpu.memory_space<vmem>>, vector<2000x64xf32>,
    %get3A_14 = arith.constant 0 : index
    %get3A_15 = arith.constant 0 : index
    %get3A_16 = vector.load %arg4[%get3A_14, %get3A_15] : memref<64x128xf32, #tpu.memory_space<vmem>>, vector<64x128xf32>
    %dot_general3A_17 = arith.constant dense<0.000000e+00> : vector<2000x128xf32>
    %dot_general3A_18 = tpu.matmul %max3A_11, %get3A_16, %dot_general3A_17 {dimension_numbers = #tpu.dot_dimension_numbers<[1], [0], [0], [1], [0, 0, 1, 1], [], []>, transpose_lhs_hint = false} : vector<2000x64xf32>, vector<64x128xf32>, vector<2000x128xf32> -> vector<2000x128xf32>
    %get3A_19 = arith.constant 0 : index
    %get3A_20 = arith.constant 0 : index
    %get3A_21 = vector.load %arg5[%get3A_19, %get3A_20] : memref<1x128xf32, #tpu.memory_space<vmem>>, vector<1x128xf32>
    %add3A_22 = vector.broadcast %get3A_21 : vector<1x128xf32> to vector<2000x128xf32>
    %add3A_23 = arith.addf %dot_general3A_18, %add3A_22 : vector<2000x128xf32>
    %max3A_24 = arith.constant 0.000000e+00 : f32
    %max3A_25 = vector.broadcast %max3A_24 : f32 to vector<2000x128xf32>
    %max3A_26 = arith.maximumf %add3A_23, %max3A_25 : vector<2000x128xf32>
    %swap3A_27 = arith.constant 0 : index
    %swap3A_28 = arith.constant 0 : index
    %swap3A_29 = vector.load %arg7[%swap3A_27, %swap3A_28] : memref<2000x128xf32, #tpu.memory_space<vmem>>, vector<2000x128xf32>
    tpu.vector_store %arg7[%swap3A_27, %swap3A_28], %max3A_26 {strides = array<i32>} : memref<2000x128xf32, #tpu.memory_space<vmem>>, vector<2000x128xf32>,
    return
  }
  func.func @transform_0(%arg0: i32) -> (i32, i32) {
    %c0_i32 = arith.constant 0 : i32
    %c0_i32_0 = arith.constant 0 : i32
    return %arg0, %c0_i32 : i32, i32
  }
  func.func @transform_1(%arg0: i32) -> (i32, i32) {
    %c0_i32 = arith.constant 0 : i32
    %c0_i32_0 = arith.constant 0 : i32
    %c0_i32_1 = arith.constant 0 : i32
    return %c0_i32, %c0_i32_0 : i32, i32
  }
  func.func @transform_2(%arg0: i32) -> (i32, i32) {
    %c0_i32 = arith.constant 0 : i32
    %c0_i32_0 = arith.constant 0 : i32
    %c0_i32_1 = arith.constant 0 : i32
    return %c0_i32, %c0_i32_0 : i32, i32
  }
  func.func @transform_3(%arg0: i32) -> (i32, i32) {
    %c0_i32 = arith.constant 0 : i32
    %c0_i32_0 = arith.constant 0 : i32
    %c0_i32_1 = arith.constant 0 : i32
    return %c0_i32, %c0_i32_0 : i32, i32
  }
  func.func @transform_4(%arg0: i32) -> (i32, i32) {
    %c0_i32 = arith.constant 0 : i32
    %c0_i32_0 = arith.constant 0 : i32
    %c0_i32_1 = arith.constant 0 : i32
    return %c0_i32, %c0_i32_0 : i32, i32
  }
  func.func @transform_5(%arg0: i32) -> (i32, i32) {
    %c0_i32 = arith.constant 0 : i32
    %c0_i32_0 = arith.constant 0 : i32
    return %arg0, %c0_i32 : i32, i32
  }
  func.func @transform_6(%arg0: i32) -> (i32, i32) {
    %c0_i32 = arith.constant 0 : i32
    %c0_i32_0 = arith.constant 0 : i32
    return %arg0, %c0_i32 : i32, i32
  }
}

module attributes {stable_mosaic.version = 14 : i64} {
  func.func @_depth1_body(%arg0: i32, %arg1: memref<2000x128xf32, #tpu.memory_space<vmem>>, %arg2: memref<2x2000x64xf32, #tpu.memory_space<vmem>>, %arg3: memref<2x2000x16xf32, #tpu.memory_space<vmem>>, %arg4: memref<128x64xf32, #tpu.memory_space<vmem>>, %arg5: memref<64x64xf32, #tpu.memory_space<vmem>>, %arg6: memref<64x64xf32, #tpu.memory_space<vmem>>, %arg7: memref<1x64xf32, #tpu.memory_space<vmem>>, %arg8: memref<64x256xf32, #tpu.memory_space<vmem>>, %arg9: memref<1x256xf32, #tpu.memory_space<vmem>>, %arg10: memref<2000x64xf32, #tpu.memory_space<vmem>>, %arg11: memref<2000x256xf32, #tpu.memory_space<vmem>>) attributes {dimension_semantics = [#tpu.dimension_semantics<arbitrary>], iteration_bounds = array<i64: 5>, scalar_prefetch = 0 : i64, scratch_operands = 0 : i64, tpu.core_type = #tpu.core_type<tc>, window_params = [{transform_indices = @transform_0, window_bounds = array<i64: 2000, 128>}, {transform_indices = @transform_1, window_bounds = array<i64: 2, 2000, 64>}, {transform_indices = @transform_2, window_bounds = array<i64: 2, 2000, 16>}, {pipeline_mode = #tpu.pipeline_mode<synchronous>, transform_indices = @transform_3, window_bounds = array<i64: 128, 64>}, {pipeline_mode = #tpu.pipeline_mode<synchronous>, transform_indices = @transform_4, window_bounds = array<i64: 64, 64>}, {pipeline_mode = #tpu.pipeline_mode<synchronous>, transform_indices = @transform_5, window_bounds = array<i64: 64, 64>}, {pipeline_mode = #tpu.pipeline_mode<synchronous>, transform_indices = @transform_6, window_bounds = array<i64: 1, 64>}, {pipeline_mode = #tpu.pipeline_mode<synchronous>, transform_indices = @transform_7, window_bounds = array<i64: 64, 256>}, {pipeline_mode = #tpu.pipeline_mode<synchronous>, transform_indices = @transform_8, window_bounds = array<i64: 1, 256>}, {transform_indices = @transform_9, window_bounds = array<i64: 2000, 64>}, {transform_indices = @transform_10, window_bounds = array<i64: 2000, 256>}]} {
    %get3A = arith.constant 0 : index
    %get3A_0 = arith.constant 0 : index
    %get3A_1 = arith.constant 0 : index
    %get3A_2 = vector.load %arg2[%get3A, %get3A_0, %get3A_1] : memref<2x2000x64xf32, #tpu.memory_space<vmem>>, vector<2x2000x64xf32>
    %get3A_3 = arith.constant 0 : index
    %get3A_4 = arith.constant 0 : index
    %get3A_5 = arith.constant 0 : index
    %get3A_6 = vector.load %arg3[%get3A_3, %get3A_4, %get3A_5] : memref<2x2000x16xf32, #tpu.memory_space<vmem>>, vector<2x2000x16xf32>
    %slice3A = vector.extract_strided_slice %get3A_2 {offsets = [0, 0, 0], sizes = [1, 2000, 64], strides = [1, 1, 1]} : vector<2x2000x64xf32> to vector<1x2000x64xf32>
    %squeeze3A = vector.shape_cast %slice3A : vector<1x2000x64xf32> to vector<2000x64xf32>
    %slice3A_7 = vector.extract_strided_slice %get3A_6 {offsets = [0, 0, 0], sizes = [1, 2000, 1], strides = [1, 1, 1]} : vector<2x2000x16xf32> to vector<1x2000x1xf32>
    %squeeze3A_8 = vector.shape_cast %slice3A_7 : vector<1x2000x1xf32> to vector<2000x1xf32>
    %max3A = arith.constant 1.000000e+00 : f32
    %max3A_9 = vector.broadcast %max3A : f32 to vector<2000x1xf32>
    %max3A_10 = arith.maximumf %squeeze3A_8, %max3A_9 : vector<2000x1xf32>
    %div3A = vector.broadcast %max3A_10 : vector<2000x1xf32> to vector<2000x64xf32>
    %div3A_11 = arith.divf %squeeze3A, %div3A : vector<2000x64xf32>
    %slice3A_12 = vector.extract_strided_slice %get3A_2 {offsets = [1, 0, 0], sizes = [1, 2000, 64], strides = [1, 1, 1]} : vector<2x2000x64xf32> to vector<1x2000x64xf32>
    %squeeze3A_13 = vector.shape_cast %slice3A_12 : vector<1x2000x64xf32> to vector<2000x64xf32>
    %slice3A_14 = vector.extract_strided_slice %get3A_6 {offsets = [1, 0, 0], sizes = [1, 2000, 1], strides = [1, 1, 1]} : vector<2x2000x16xf32> to vector<1x2000x1xf32>
    %squeeze3A_15 = vector.shape_cast %slice3A_14 : vector<1x2000x1xf32> to vector<2000x1xf32>
    %max3A_16 = arith.constant 1.000000e+00 : f32
    %max3A_17 = vector.broadcast %max3A_16 : f32 to vector<2000x1xf32>
    %max3A_18 = arith.maximumf %squeeze3A_15, %max3A_17 : vector<2000x1xf32>
    %div3A_19 = vector.broadcast %max3A_18 : vector<2000x1xf32> to vector<2000x64xf32>
    %div3A_20 = arith.divf %squeeze3A_13, %div3A_19 : vector<2000x64xf32>
    %get3A_21 = arith.constant 0 : index
    %get3A_22 = arith.constant 0 : index
    %get3A_23 = vector.load %arg1[%get3A_21, %get3A_22] : memref<2000x128xf32, #tpu.memory_space<vmem>>, vector<2000x128xf32>
    %get3A_24 = arith.constant 0 : index
    %get3A_25 = arith.constant 0 : index
    %get3A_26 = vector.load %arg4[%get3A_24, %get3A_25] : memref<128x64xf32, #tpu.memory_space<vmem>>, vector<128x64xf32>
    %dot_general3A = arith.constant dense<0.000000e+00> : vector<2000x64xf32>
    %dot_general3A_27 = tpu.matmul %get3A_23, %get3A_26, %dot_general3A {dimension_numbers = #tpu.dot_dimension_numbers<[1], [0], [0], [1], [0, 0, 1, 1], [], []>, transpose_lhs_hint = false} : vector<2000x128xf32>, vector<128x64xf32>, vector<2000x64xf32> -> vector<2000x64xf32>
    %get3A_28 = arith.constant 0 : index
    %get3A_29 = arith.constant 0 : index
    %get3A_30 = vector.load %arg5[%get3A_28, %get3A_29] : memref<64x64xf32, #tpu.memory_space<vmem>>, vector<64x64xf32>
    %dot_general3A_31 = arith.constant dense<0.000000e+00> : vector<2000x64xf32>
    %dot_general3A_32 = tpu.matmul %div3A_20, %get3A_30, %dot_general3A_31 {dimension_numbers = #tpu.dot_dimension_numbers<[1], [0], [0], [1], [0, 0, 1, 1], [], []>, transpose_lhs_hint = false} : vector<2000x64xf32>, vector<64x64xf32>, vector<2000x64xf32> -> vector<2000x64xf32>
    %add3A = arith.addf %dot_general3A_27, %dot_general3A_32 : vector<2000x64xf32>
    %get3A_33 = arith.constant 0 : index
    %get3A_34 = arith.constant 0 : index
    %get3A_35 = vector.load %arg6[%get3A_33, %get3A_34] : memref<64x64xf32, #tpu.memory_space<vmem>>, vector<64x64xf32>
    %dot_general3A_36 = arith.constant dense<0.000000e+00> : vector<2000x64xf32>
    %dot_general3A_37 = tpu.matmul %div3A_11, %get3A_35, %dot_general3A_36 {dimension_numbers = #tpu.dot_dimension_numbers<[1], [0], [0], [1], [0, 0, 1, 1], [], []>, transpose_lhs_hint = false} : vector<2000x64xf32>, vector<64x64xf32>, vector<2000x64xf32> -> vector<2000x64xf32>
    %add3A_38 = arith.addf %add3A, %dot_general3A_37 : vector<2000x64xf32>
    %get3A_39 = arith.constant 0 : index
    %get3A_40 = arith.constant 0 : index
    %get3A_41 = vector.load %arg7[%get3A_39, %get3A_40] : memref<1x64xf32, #tpu.memory_space<vmem>>, vector<1x64xf32>
    %add3A_42 = vector.broadcast %get3A_41 : vector<1x64xf32> to vector<2000x64xf32>
    %add3A_43 = arith.addf %add3A_38, %add3A_42 : vector<2000x64xf32>
    %max3A_44 = arith.constant 0.000000e+00 : f32
    %max3A_45 = vector.broadcast %max3A_44 : f32 to vector<2000x64xf32>
    %max3A_46 = arith.maximumf %add3A_43, %max3A_45 : vector<2000x64xf32>
    %swap3A = arith.constant 0 : index
    %swap3A_47 = arith.constant 0 : index
    %swap3A_48 = vector.load %arg10[%swap3A, %swap3A_47] : memref<2000x64xf32, #tpu.memory_space<vmem>>, vector<2000x64xf32>
    tpu.vector_store %arg10[%swap3A, %swap3A_47], %max3A_46 {strides = array<i32>} : memref<2000x64xf32, #tpu.memory_space<vmem>>, vector<2000x64xf32>,
    %get3A_49 = arith.constant 0 : index
    %get3A_50 = arith.constant 0 : index
    %get3A_51 = vector.load %arg8[%get3A_49, %get3A_50] : memref<64x256xf32, #tpu.memory_space<vmem>>, vector<64x256xf32>
    %dot_general3A_52 = arith.constant dense<0.000000e+00> : vector<2000x256xf32>
    %dot_general3A_53 = tpu.matmul %max3A_46, %get3A_51, %dot_general3A_52 {dimension_numbers = #tpu.dot_dimension_numbers<[1], [0], [0], [1], [0, 0, 1, 1], [], []>, transpose_lhs_hint = false} : vector<2000x64xf32>, vector<64x256xf32>, vector<2000x256xf32> -> vector<2000x256xf32>
    %get3A_54 = arith.constant 0 : index
    %get3A_55 = arith.constant 0 : index
    %get3A_56 = vector.load %arg9[%get3A_54, %get3A_55] : memref<1x256xf32, #tpu.memory_space<vmem>>, vector<1x256xf32>
    %add3A_57 = vector.broadcast %get3A_56 : vector<1x256xf32> to vector<2000x256xf32>
    %add3A_58 = arith.addf %dot_general3A_53, %add3A_57 : vector<2000x256xf32>
    %max3A_59 = arith.constant 0.000000e+00 : f32
    %max3A_60 = vector.broadcast %max3A_59 : f32 to vector<2000x256xf32>
    %max3A_61 = arith.maximumf %add3A_58, %max3A_60 : vector<2000x256xf32>
    %swap3A_62 = arith.constant 0 : index
    %swap3A_63 = arith.constant 0 : index
    %swap3A_64 = vector.load %arg11[%swap3A_62, %swap3A_63] : memref<2000x256xf32, #tpu.memory_space<vmem>>, vector<2000x256xf32>
    tpu.vector_store %arg11[%swap3A_62, %swap3A_63], %max3A_61 {strides = array<i32>} : memref<2000x256xf32, #tpu.memory_space<vmem>>, vector<2000x256xf32>,
    return
  }
  func.func @transform_0(%arg0: i32) -> (i32, i32) {
    %c0_i32 = arith.constant 0 : i32
    %c0_i32_0 = arith.constant 0 : i32
    return %arg0, %c0_i32 : i32, i32
  }
  func.func @transform_1(%arg0: i32) -> (i32, i32, i32) {
    %c0_i32 = arith.constant 0 : i32
    %c0_i32_0 = arith.constant 0 : i32
    %c0_i32_1 = arith.constant 0 : i32
    return %c0_i32, %arg0, %c0_i32_0 : i32, i32, i32
  }
  func.func @transform_2(%arg0: i32) -> (i32, i32, i32) {
    %c0_i32 = arith.constant 0 : i32
    %c0_i32_0 = arith.constant 0 : i32
    %c0_i32_1 = arith.constant 0 : i32
    return %c0_i32, %arg0, %c0_i32_0 : i32, i32, i32
  }
  func.func @transform_3(%arg0: i32) -> (i32, i32) {
    %c0_i32 = arith.constant 0 : i32
    %c0_i32_0 = arith.constant 0 : i32
    %c0_i32_1 = arith.constant 0 : i32
    return %c0_i32, %c0_i32_0 : i32, i32
  }
  func.func @transform_4(%arg0: i32) -> (i32, i32) {
    %c0_i32 = arith.constant 0 : i32
    %c0_i32_0 = arith.constant 0 : i32
    %c0_i32_1 = arith.constant 0 : i32
    return %c0_i32, %c0_i32_0 : i32, i32
  }
  func.func @transform_5(%arg0: i32) -> (i32, i32) {
    %c0_i32 = arith.constant 0 : i32
    %c0_i32_0 = arith.constant 0 : i32
    %c0_i32_1 = arith.constant 0 : i32
    return %c0_i32, %c0_i32_0 : i32, i32
  }
  func.func @transform_6(%arg0: i32) -> (i32, i32) {
    %c0_i32 = arith.constant 0 : i32
    %c0_i32_0 = arith.constant 0 : i32
    %c0_i32_1 = arith.constant 0 : i32
    return %c0_i32, %c0_i32_0 : i32, i32
  }
  func.func @transform_7(%arg0: i32) -> (i32, i32) {
    %c0_i32 = arith.constant 0 : i32
    %c0_i32_0 = arith.constant 0 : i32
    %c0_i32_1 = arith.constant 0 : i32
    return %c0_i32, %c0_i32_0 : i32, i32
  }
  func.func @transform_8(%arg0: i32) -> (i32, i32) {
    %c0_i32 = arith.constant 0 : i32
    %c0_i32_0 = arith.constant 0 : i32
    %c0_i32_1 = arith.constant 0 : i32
    return %c0_i32, %c0_i32_0 : i32, i32
  }
  func.func @transform_9(%arg0: i32) -> (i32, i32) {
    %c0_i32 = arith.constant 0 : i32
    %c0_i32_0 = arith.constant 0 : i32
    return %arg0, %c0_i32 : i32, i32
  }
  func.func @transform_10(%arg0: i32) -> (i32, i32) {
    %c0_i32 = arith.constant 0 : i32
    %c0_i32_0 = arith.constant 0 : i32
    return %arg0, %c0_i32 : i32, i32
  }
}

module attributes {stable_mosaic.version = 14 : i64} {
  func.func @_final_body(%arg0: i32, %arg1: memref<2000x128xf32, #tpu.memory_space<vmem>>, %arg2: memref<2000x256xf32, #tpu.memory_space<vmem>>, %arg3: memref<2x2000x64xf32, #tpu.memory_space<vmem>>, %arg4: memref<2x2000x16xf32, #tpu.memory_space<vmem>>, %arg5: memref<256x64xf32, #tpu.memory_space<vmem>>, %arg6: memref<64x64xf32, #tpu.memory_space<vmem>>, %arg7: memref<64x64xf32, #tpu.memory_space<vmem>>, %arg8: memref<1x64xf32, #tpu.memory_space<vmem>>, %arg9: memref<64x384xf32, #tpu.memory_space<vmem>>, %arg10: memref<1x384xf32, #tpu.memory_space<vmem>>, %arg11: memref<128x384xf32, #tpu.memory_space<vmem>>, %arg12: memref<256x384xf32, #tpu.memory_space<vmem>>, %arg13: memref<384x384xf32, #tpu.memory_space<vmem>>, %arg14: memref<1x384xf32, #tpu.memory_space<vmem>>, %arg15: memref<384x128xf32, #tpu.memory_space<vmem>>, %arg16: memref<1x128xf32, #tpu.memory_space<vmem>>, %arg17: memref<2000x128xf32, #tpu.memory_space<vmem>>) attributes {dimension_semantics = [#tpu.dimension_semantics<arbitrary>], iteration_bounds = array<i64: 5>, scalar_prefetch = 0 : i64, scratch_operands = 0 : i64, tpu.core_type = #tpu.core_type<tc>, window_params = [{transform_indices = @transform_0, window_bounds = array<i64: 2000, 128>}, {transform_indices = @transform_1, window_bounds = array<i64: 2000, 256>}, {transform_indices = @transform_2, window_bounds = array<i64: 2, 2000, 64>}, {transform_indices = @transform_3, window_bounds = array<i64: 2, 2000, 16>}, {pipeline_mode = #tpu.pipeline_mode<synchronous>, transform_indices = @transform_4, window_bounds = array<i64: 256, 64>}, {pipeline_mode = #tpu.pipeline_mode<synchronous>, transform_indices = @transform_5, window_bounds = array<i64: 64, 64>}, {pipeline_mode = #tpu.pipeline_mode<synchronous>, transform_indices = @transform_6, window_bounds = array<i64: 64, 64>}, {pipeline_mode = #tpu.pipeline_mode<synchronous>, transform_indices = @transform_7, window_bounds = array<i64: 1, 64>}, {pipeline_mode = #tpu.pipeline_mode<synchronous>, transform_indices = @transform_8, window_bounds = array<i64: 64, 384>}, {pipeline_mode = #tpu.pipeline_mode<synchronous>, transform_indices = @transform_9, window_bounds = array<i64: 1, 384>}, {pipeline_mode = #tpu.pipeline_mode<synchronous>, transform_indices = @transform_10, window_bounds = array<i64: 128, 384>}, {pipeline_mode = #tpu.pipeline_mode<synchronous>, transform_indices = @transform_11, window_bounds = array<i64: 256, 384>}, {pipeline_mode = #tpu.pipeline_mode<synchronous>, transform_indices = @transform_12, window_bounds = array<i64: 384, 384>}, {pipeline_mode = #tpu.pipeline_mode<synchronous>, transform_indices = @transform_13, window_bounds = array<i64: 1, 384>}, {pipeline_mode = #tpu.pipeline_mode<synchronous>, transform_indices = @transform_14, window_bounds = array<i64: 384, 128>}, {pipeline_mode = #tpu.pipeline_mode<synchronous>, transform_indices = @transform_15, window_bounds = array<i64: 1, 128>}, {transform_indices = @transform_16, window_bounds = array<i64: 2000, 128>}]} {
    %get3A = arith.constant 0 : index
    %get3A_0 = arith.constant 0 : index
    %get3A_1 = arith.constant 0 : index
    %get3A_2 = vector.load %arg3[%get3A, %get3A_0, %get3A_1] : memref<2x2000x64xf32, #tpu.memory_space<vmem>>, vector<2x2000x64xf32>
    %get3A_3 = arith.constant 0 : index
    %get3A_4 = arith.constant 0 : index
    %get3A_5 = arith.constant 0 : index
    %get3A_6 = vector.load %arg4[%get3A_3, %get3A_4, %get3A_5] : memref<2x2000x16xf32, #tpu.memory_space<vmem>>, vector<2x2000x16xf32>
    %slice3A = vector.extract_strided_slice %get3A_2 {offsets = [0, 0, 0], sizes = [1, 2000, 64], strides = [1, 1, 1]} : vector<2x2000x64xf32> to vector<1x2000x64xf32>
    %squeeze3A = vector.shape_cast %slice3A : vector<1x2000x64xf32> to vector<2000x64xf32>
    %slice3A_7 = vector.extract_strided_slice %get3A_6 {offsets = [0, 0, 0], sizes = [1, 2000, 1], strides = [1, 1, 1]} : vector<2x2000x16xf32> to vector<1x2000x1xf32>
    %squeeze3A_8 = vector.shape_cast %slice3A_7 : vector<1x2000x1xf32> to vector<2000x1xf32>
    %max3A = arith.constant 1.000000e+00 : f32
    %max3A_9 = vector.broadcast %max3A : f32 to vector<2000x1xf32>
    %max3A_10 = arith.maximumf %squeeze3A_8, %max3A_9 : vector<2000x1xf32>
    %div3A = vector.broadcast %max3A_10 : vector<2000x1xf32> to vector<2000x64xf32>
    %div3A_11 = arith.divf %squeeze3A, %div3A : vector<2000x64xf32>
    %slice3A_12 = vector.extract_strided_slice %get3A_2 {offsets = [1, 0, 0], sizes = [1, 2000, 64], strides = [1, 1, 1]} : vector<2x2000x64xf32> to vector<1x2000x64xf32>
    %squeeze3A_13 = vector.shape_cast %slice3A_12 : vector<1x2000x64xf32> to vector<2000x64xf32>
    %slice3A_14 = vector.extract_strided_slice %get3A_6 {offsets = [1, 0, 0], sizes = [1, 2000, 1], strides = [1, 1, 1]} : vector<2x2000x16xf32> to vector<1x2000x1xf32>
    %squeeze3A_15 = vector.shape_cast %slice3A_14 : vector<1x2000x1xf32> to vector<2000x1xf32>
    %max3A_16 = arith.constant 1.000000e+00 : f32
    %max3A_17 = vector.broadcast %max3A_16 : f32 to vector<2000x1xf32>
    %max3A_18 = arith.maximumf %squeeze3A_15, %max3A_17 : vector<2000x1xf32>
    %div3A_19 = vector.broadcast %max3A_18 : vector<2000x1xf32> to vector<2000x64xf32>
    %div3A_20 = arith.divf %squeeze3A_13, %div3A_19 : vector<2000x64xf32>
    %get3A_21 = arith.constant 0 : index
    %get3A_22 = arith.constant 0 : index
    %get3A_23 = vector.load %arg2[%get3A_21, %get3A_22] : memref<2000x256xf32, #tpu.memory_space<vmem>>, vector<2000x256xf32>
    %get3A_24 = arith.constant 0 : index
    %get3A_25 = arith.constant 0 : index
    %get3A_26 = vector.load %arg5[%get3A_24, %get3A_25] : memref<256x64xf32, #tpu.memory_space<vmem>>, vector<256x64xf32>
    %dot_general3A = arith.constant dense<0.000000e+00> : vector<2000x64xf32>
    %dot_general3A_27 = tpu.matmul %get3A_23, %get3A_26, %dot_general3A {dimension_numbers = #tpu.dot_dimension_numbers<[1], [0], [0], [1], [0, 0, 1, 1], [], []>, transpose_lhs_hint = false} : vector<2000x256xf32>, vector<256x64xf32>, vector<2000x64xf32> -> vector<2000x64xf32>
    %get3A_28 = arith.constant 0 : index
    %get3A_29 = arith.constant 0 : index
    %get3A_30 = vector.load %arg6[%get3A_28, %get3A_29] : memref<64x64xf32, #tpu.memory_space<vmem>>, vector<64x64xf32>
    %dot_general3A_31 = arith.constant dense<0.000000e+00> : vector<2000x64xf32>
    %dot_general3A_32 = tpu.matmul %div3A_20, %get3A_30, %dot_general3A_31 {dimension_numbers = #tpu.dot_dimension_numbers<[1], [0], [0], [1], [0, 0, 1, 1], [], []>, transpose_lhs_hint = false} : vector<2000x64xf32>, vector<64x64xf32>, vector<2000x64xf32> -> vector<2000x64xf32>
    %add3A = arith.addf %dot_general3A_27, %dot_general3A_32 : vector<2000x64xf32>
    %get3A_33 = arith.constant 0 : index
    %get3A_34 = arith.constant 0 : index
    %get3A_35 = vector.load %arg7[%get3A_33, %get3A_34] : memref<64x64xf32, #tpu.memory_space<vmem>>, vector<64x64xf32>
    %dot_general3A_36 = arith.constant dense<0.000000e+00> : vector<2000x64xf32>
    %dot_general3A_37 = tpu.matmul %div3A_11, %get3A_35, %dot_general3A_36 {dimension_numbers = #tpu.dot_dimension_numbers<[1], [0], [0], [1], [0, 0, 1, 1], [], []>, transpose_lhs_hint = false} : vector<2000x64xf32>, vector<64x64xf32>, vector<2000x64xf32> -> vector<2000x64xf32>
    %add3A_38 = arith.addf %add3A, %dot_general3A_37 : vector<2000x64xf32>
    %get3A_39 = arith.constant 0 : index
    %get3A_40 = arith.constant 0 : index
    %get3A_41 = vector.load %arg8[%get3A_39, %get3A_40] : memref<1x64xf32, #tpu.memory_space<vmem>>, vector<1x64xf32>
    %add3A_42 = vector.broadcast %get3A_41 : vector<1x64xf32> to vector<2000x64xf32>
    %add3A_43 = arith.addf %add3A_38, %add3A_42 : vector<2000x64xf32>
    %max3A_44 = arith.constant 0.000000e+00 : f32
    %max3A_45 = vector.broadcast %max3A_44 : f32 to vector<2000x64xf32>
    %max3A_46 = arith.maximumf %add3A_43, %max3A_45 : vector<2000x64xf32>
    %get3A_47 = arith.constant 0 : index
    %get3A_48 = arith.constant 0 : index
    %get3A_49 = vector.load %arg9[%get3A_47, %get3A_48] : memref<64x384xf32, #tpu.memory_space<vmem>>, vector<64x384xf32>
    %dot_general3A_50 = arith.constant dense<0.000000e+00> : vector<2000x384xf32>
    %dot_general3A_51 = tpu.matmul %max3A_46, %get3A_49, %dot_general3A_50 {dimension_numbers = #tpu.dot_dimension_numbers<[1], [0], [0], [1], [0, 0, 1, 1], [], []>, transpose_lhs_hint = false} : vector<2000x64xf32>, vector<64x384xf32>, vector<2000x384xf32> -> vector<2000x384xf32>
    %get3A_52 = arith.constant 0 : index
    %get3A_53 = arith.constant 0 : index
    %get3A_54 = vector.load %arg10[%get3A_52, %get3A_53] : memref<1x384xf32, #tpu.memory_space<vmem>>, vector<1x384xf32>
    %add3A_55 = vector.broadcast %get3A_54 : vector<1x384xf32> to vector<2000x384xf32>
    %add3A_56 = arith.addf %dot_general3A_51, %add3A_55 : vector<2000x384xf32>
    %max3A_57 = arith.constant 0.000000e+00 : f32
    %max3A_58 = vector.broadcast %max3A_57 : f32 to vector<2000x384xf32>
    %max3A_59 = arith.maximumf %add3A_56, %max3A_58 : vector<2000x384xf32>
    %get3A_60 = arith.constant 0 : index
    %get3A_61 = arith.constant 0 : index
    %get3A_62 = vector.load %arg1[%get3A_60, %get3A_61] : memref<2000x128xf32, #tpu.memory_space<vmem>>, vector<2000x128xf32>
    %get3A_63 = arith.constant 0 : index
    %get3A_64 = arith.constant 0 : index
    %get3A_65 = vector.load %arg11[%get3A_63, %get3A_64] : memref<128x384xf32, #tpu.memory_space<vmem>>, vector<128x384xf32>
    %dot_general3A_66 = arith.constant dense<0.000000e+00> : vector<2000x384xf32>
    %dot_general3A_67 = tpu.matmul %get3A_62, %get3A_65, %dot_general3A_66 {dimension_numbers = #tpu.dot_dimension_numbers<[1], [0], [0], [1], [0, 0, 1, 1], [], []>, transpose_lhs_hint = false} : vector<2000x128xf32>, vector<128x384xf32>, vector<2000x384xf32> -> vector<2000x384xf32>
    %get3A_68 = arith.constant 0 : index
    %get3A_69 = arith.constant 0 : index
    %get3A_70 = vector.load %arg2[%get3A_68, %get3A_69] : memref<2000x256xf32, #tpu.memory_space<vmem>>, vector<2000x256xf32>
    %get3A_71 = arith.constant 0 : index
    %get3A_72 = arith.constant 0 : index
    %get3A_73 = vector.load %arg12[%get3A_71, %get3A_72] : memref<256x384xf32, #tpu.memory_space<vmem>>, vector<256x384xf32>
    %dot_general3A_74 = arith.constant dense<0.000000e+00> : vector<2000x384xf32>
    %dot_general3A_75 = tpu.matmul %get3A_70, %get3A_73, %dot_general3A_74 {dimension_numbers = #tpu.dot_dimension_numbers<[1], [0], [0], [1], [0, 0, 1, 1], [], []>, transpose_lhs_hint = false} : vector<2000x256xf32>, vector<256x384xf32>, vector<2000x384xf32> -> vector<2000x384xf32>
    %add3A_76 = arith.addf %dot_general3A_67, %dot_general3A_75 : vector<2000x384xf32>
    %get3A_77 = arith.constant 0 : index
    %get3A_78 = arith.constant 0 : index
    %get3A_79 = vector.load %arg13[%get3A_77, %get3A_78] : memref<384x384xf32, #tpu.memory_space<vmem>>, vector<384x384xf32>
    %dot_general3A_80 = arith.constant dense<0.000000e+00> : vector<2000x384xf32>
    %dot_general3A_81 = tpu.matmul %max3A_59, %get3A_79, %dot_general3A_80 {dimension_numbers = #tpu.dot_dimension_numbers<[1], [0], [0], [1], [0, 0, 1, 1], [], []>, transpose_lhs_hint = false} : vector<2000x384xf32>, vector<384x384xf32>, vector<2000x384xf32> -> vector<2000x384xf32>
    %add3A_82 = arith.addf %add3A_76, %dot_general3A_81 : vector<2000x384xf32>
    %get3A_83 = arith.constant 0 : index
    %get3A_84 = arith.constant 0 : index
    %get3A_85 = vector.load %arg14[%get3A_83, %get3A_84] : memref<1x384xf32, #tpu.memory_space<vmem>>, vector<1x384xf32>
    %add3A_86 = vector.broadcast %get3A_85 : vector<1x384xf32> to vector<2000x384xf32>
    %add3A_87 = arith.addf %add3A_82, %add3A_86 : vector<2000x384xf32>
    %max3A_88 = arith.constant 0.000000e+00 : f32
    %max3A_89 = vector.broadcast %max3A_88 : f32 to vector<2000x384xf32>
    %max3A_90 = arith.maximumf %add3A_87, %max3A_89 : vector<2000x384xf32>
    %get3A_91 = arith.constant 0 : index
    %get3A_92 = arith.constant 0 : index
    %get3A_93 = vector.load %arg15[%get3A_91, %get3A_92] : memref<384x128xf32, #tpu.memory_space<vmem>>, vector<384x128xf32>
    %dot_general3A_94 = arith.constant dense<0.000000e+00> : vector<2000x128xf32>
    %dot_general3A_95 = tpu.matmul %max3A_90, %get3A_93, %dot_general3A_94 {dimension_numbers = #tpu.dot_dimension_numbers<[1], [0], [0], [1], [0, 0, 1, 1], [], []>, transpose_lhs_hint = false} : vector<2000x384xf32>, vector<384x128xf32>, vector<2000x128xf32> -> vector<2000x128xf32>
    %get3A_96 = arith.constant 0 : index
    %get3A_97 = arith.constant 0 : index
    %get3A_98 = vector.load %arg16[%get3A_96, %get3A_97] : memref<1x128xf32, #tpu.memory_space<vmem>>, vector<1x128xf32>
    %add3A_99 = vector.broadcast %get3A_98 : vector<1x128xf32> to vector<2000x128xf32>
    %add3A_100 = arith.addf %dot_general3A_95, %add3A_99 : vector<2000x128xf32>
    %swap3A = arith.constant 0 : index
    %swap3A_101 = arith.constant 0 : index
    %swap3A_102 = vector.load %arg17[%swap3A, %swap3A_101] : memref<2000x128xf32, #tpu.memory_space<vmem>>, vector<2000x128xf32>
    tpu.vector_store %arg17[%swap3A, %swap3A_101], %add3A_100 {strides = array<i32>} : memref<2000x128xf32, #tpu.memory_space<vmem>>, vector<2000x128xf32>,
    return
  }
  func.func @transform_0(%arg0: i32) -> (i32, i32) {
    %c0_i32 = arith.constant 0 : i32
    %c0_i32_0 = arith.constant 0 : i32
    return %arg0, %c0_i32 : i32, i32
  }
  func.func @transform_1(%arg0: i32) -> (i32, i32) {
    %c0_i32 = arith.constant 0 : i32
    %c0_i32_0 = arith.constant 0 : i32
    return %arg0, %c0_i32 : i32, i32
  }
  func.func @transform_2(%arg0: i32) -> (i32, i32, i32) {
    %c0_i32 = arith.constant 0 : i32
    %c0_i32_0 = arith.constant 0 : i32
    %c0_i32_1 = arith.constant 0 : i32
    return %c0_i32, %arg0, %c0_i32_0 : i32, i32, i32
  }
  func.func @transform_3(%arg0: i32) -> (i32, i32, i32) {
    %c0_i32 = arith.constant 0 : i32
    %c0_i32_0 = arith.constant 0 : i32
    %c0_i32_1 = arith.constant 0 : i32
    return %c0_i32, %arg0, %c0_i32_0 : i32, i32, i32
  }
  func.func @transform_4(%arg0: i32) -> (i32, i32) {
    %c0_i32 = arith.constant 0 : i32
    %c0_i32_0 = arith.constant 0 : i32
    %c0_i32_1 = arith.constant 0 : i32
    return %c0_i32, %c0_i32_0 : i32, i32
  }
  func.func @transform_5(%arg0: i32) -> (i32, i32) {
    %c0_i32 = arith.constant 0 : i32
    %c0_i32_0 = arith.constant 0 : i32
    %c0_i32_1 = arith.constant 0 : i32
    return %c0_i32, %c0_i32_0 : i32, i32
  }
  func.func @transform_6(%arg0: i32) -> (i32, i32) {
    %c0_i32 = arith.constant 0 : i32
    %c0_i32_0 = arith.constant 0 : i32
    %c0_i32_1 = arith.constant 0 : i32
    return %c0_i32, %c0_i32_0 : i32, i32
  }
  func.func @transform_7(%arg0: i32) -> (i32, i32) {
    %c0_i32 = arith.constant 0 : i32
    %c0_i32_0 = arith.constant 0 : i32
    %c0_i32_1 = arith.constant 0 : i32
    return %c0_i32, %c0_i32_0 : i32, i32
  }
  func.func @transform_8(%arg0: i32) -> (i32, i32) {
    %c0_i32 = arith.constant 0 : i32
    %c0_i32_0 = arith.constant 0 : i32
    %c0_i32_1 = arith.constant 0 : i32
    return %c0_i32, %c0_i32_0 : i32, i32
  }
  func.func @transform_9(%arg0: i32) -> (i32, i32) {
    %c0_i32 = arith.constant 0 : i32
    %c0_i32_0 = arith.constant 0 : i32
    %c0_i32_1 = arith.constant 0 : i32
    return %c0_i32, %c0_i32_0 : i32, i32
  }
  func.func @transform_10(%arg0: i32) -> (i32, i32) {
    %c0_i32 = arith.constant 0 : i32
    %c0_i32_0 = arith.constant 0 : i32
    %c0_i32_1 = arith.constant 0 : i32
    return %c0_i32, %c0_i32_0 : i32, i32
  }
  func.func @transform_11(%arg0: i32) -> (i32, i32) {
    %c0_i32 = arith.constant 0 : i32
    %c0_i32_0 = arith.constant 0 : i32
    %c0_i32_1 = arith.constant 0 : i32
    return %c0_i32, %c0_i32_0 : i32, i32
  }
  func.func @transform_12(%arg0: i32) -> (i32, i32) {
    %c0_i32 = arith.constant 0 : i32
    %c0_i32_0 = arith.constant 0 : i32
    %c0_i32_1 = arith.constant 0 : i32
    return %c0_i32, %c0_i32_0 : i32, i32
  }
  func.func @transform_13(%arg0: i32) -> (i32, i32) {
    %c0_i32 = arith.constant 0 : i32
    %c0_i32_0 = arith.constant 0 : i32
    %c0_i32_1 = arith.constant 0 : i32
    return %c0_i32, %c0_i32_0 : i32, i32
  }
  func.func @transform_14(%arg0: i32) -> (i32, i32) {
    %c0_i32 = arith.constant 0 : i32
    %c0_i32_0 = arith.constant 0 : i32
    %c0_i32_1 = arith.constant 0 : i32
    return %c0_i32, %c0_i32_0 : i32, i32
  }
  func.func @transform_15(%arg0: i32) -> (i32, i32) {
    %c0_i32 = arith.constant 0 : i32
    %c0_i32_0 = arith.constant 0 : i32
    %c0_i32_1 = arith.constant 0 : i32
    return %c0_i32, %c0_i32_0 : i32, i32
  }
  func.func @transform_16(%arg0: i32) -> (i32, i32) {
    %c0_i32 = arith.constant 0 : i32
    %c0_i32_0 = arith.constant 0 : i32
    return %arg0, %c0_i32 : i32, i32
  }
}

</mosaic_0001>

<sc_bundles>
// kernel: kernel.10.cloned.1.call-start
scs
__scs_entry_jumppad:
0x0: {  	(pc) =	sbr.rel $0x88, $3  }
0x1: {  	(tag) =	ssettag $0x0;
	lr =	simm.s32 $0x1  }
0x2: {  	[smem:$0x3F8F] =	sst lr;
	_ =	strace $0xD0000000  }
0x3: {  	_ = 	snop  }
0x4: {  	_ = 	snop  }
0x5: {  	_ = 	snop  }
0x6: {  	_ = 	snop  }
0x7: {  	_ = 	snop  }
__scs_overlays_trampoline_lowered:
0x8: {  	[smem:$0x3F9E] =	sst s0  }
0x9: {  	[smem:$0x3F9F] =	sst s1  }
0xa: {  	[smem:$0x3FA0] =	sst s2  }
0xb: {  	[smem:$0x3FA1] =	sst s3  }
0xc: {  	[smem:$0x3FA2] =	sst s4  }
0xd: {  	[smem:$0x3FA3] =	sst s5  }
0xe: {  	[smem:$0x3FA4] =	sst s6  }
0xf: {  	[smem:$0x3FA5] =	sst s7  }
0x10: {  	[smem:$0x3FA6] =	sst s8  }
0x11: {  	[smem:$0x3FA7] =	sst s9;
	s0 =	simm.s32 @!p0 $0x0  }
0x12: {  	s1 =	sld [smem:$0x3F8D];
	s0 =	simm.s32 @p0 $0x1  }
0x13: {  	[smem:$0x3FA8] =	sst s0;
	s0 =	simm.s32 @!p1 $0x0  }
0x14: {  	s2 =	sld [smem:$0x3F8C];
	s0 =	simm.s32 @p1 $0x1  }
0x15: {  	[smem:$0x3FA9] =	sst s0;
	s0 =	simm.s32 @!p2 $0x0  }
0x16: {  	s3 =	sld [smem:$0x3FDB];
	s0 =	simm.s32 @p2 $0x1  }
0x17: {  	s4 =	simm.s32 $0x1BF5;
	[smem:$0x3FAB] =	sst s0  }
0x18: {  	s0 =	sld [smem:$0x3F8E];
	_ =	swait.ge [sflag:s4], $0x0  }
0x19: {  	s7 =	sld [smem:$0x3F8F]  }
0x1a: {  	s8 =	sadd.s32 $0xFFFFE003, lr  }
0x1b: {  	s9 =	sadd.s32 $0xFFFFFEF7, lr;
	s5 =	simm.s32 $0xFFFFFFFF;
	p2 =	slt.u32 s8, $0xFFFFF086  }
0x1c: {  	p1 =	slt.u32 s9, $0xF7A;
	s5 =	simm.s32 @!p2 $0x0  }
0x1d: {  	s5 =	simm.s32 @p1 $0x1;
	p0 =	seq.s32 s7, s2  }
0x1e: {  	s7 =	smul.u32 @!p0 $0xF7A, s2;
	p2 =	seq.s32 @!p0 s5, $0x0  }
0x1f: {  	s9 =	smul.u32 $0xF7A, s1;
	s8 =	simm.s32 @!p0 $0x1BF5;
	p2 =	por !p2, p0  }
0x20: {  	[sflag:s8] =	ssyncset.s32 @!p0 $0xFFFFF086;
	s6 =	sadd.s32 @!p0 s3, s7;
	s7 =	simm.s32 @!p0 $0x108  }
0x21: {  	s3 =	sadd.s32 s3, s9;
	s6 =	sadd.s32 @!p0 $0x88, s6;
	s7 =	simm.s32 @p2 $0x1082  }
0x22: {  	[simem:s7], [sflag:s8] =	dma.local @!p0 [hbm:s6], $0xF7A  }
0x23: {  	s9 =	sor.u32 $0xD0000000, s2;
	s6 =	simm.s32 $0x108;
	_ =	swait.ge @!p0 [sflag:s8], $0x0  }
0x24: {  	s3 =	sadd.s32 $0x88, s3;
	s6 =	simm.s32 @!p1 $0x1082;
	[sflag:s4] =	ssyncset.s32 $0xFFFFF086  }
0x25: {  	[simem:s6], [sflag:s4] =	dma.local [hbm:s3], $0xF7A  }
0x26: {  	[smem:$0x3F8F] =	sst s1;
	(tag) =	ssettag s2;
	_ =	strace s9  }
0x27: {  	s1 =	sld [smem:$0x3F9F]  }
0x28: {  	s2 =	sld [smem:$0x3FA0]  }
0x29: {  	s4 =	sld [smem:$0x3FA2]  }
0x2a: {  	p0 =	seq.s32 s5, $0x0;
	s5 =	sld [smem:$0x3FA3]  }
0x2b: {  	s6 =	sld [smem:$0x3FA4]  }
0x2c: {  	s7 =	sld [smem:$0x3FA5]  }
0x2d: {  	s3 =	simm.s32 $0x108;
	s8 =	sld [smem:$0x3FA6]  }
0x2e: {  	s3 =	simm.s32 @!p0 $0x1082;
	s9 =	sld [smem:$0x3FA7]  }
0x2f: {  	lr =	sadd.s32 s0, s3;
	s0 =	sld [smem:$0x3F9E]  }
0x30: {  	s3 =	sld [smem:$0x3FA1]  }
0x31: {  	[smem:$0x3FAA] =	sst s10  }
0x32: {  	s10 =	sld [smem:$0x3FA8];
	_ =	sdelay $0x3  }
0x33: {  	p0 =	seq.s32 s10, $0x1;
	s10 =	sld [smem:$0x3FAA];
	_ =	sdelay $0x3  }
0x34: {  	[smem:$0x3FAA] =	sst s10  }
0x35: {  	s10 =	sld [smem:$0x3FA9];
	_ =	sdelay $0x3  }
0x36: {  	p1 =	seq.s32 s10, $0x1;
	s10 =	sld [smem:$0x3FAA];
	_ =	sdelay $0x3  }
0x37: {  	[smem:$0x3FAA] =	sst s10  }
0x38: {  	s10 =	sld [smem:$0x3FAB]  }
0x39: {  	_ = 	snop;
	(pc) =	sbr.ind lr, $3  }
0x3a: {  	_ = 	snop  }
0x3b: {  	_ = 	snop  }
0x3c: {  	p2 =	seq.s32 s10, $0x1;
	s10 =	sld [smem:$0x3FAA]  }
0x3d: {  	_ =	shalt  }
0x3e: {  	_ =	shalt  }
0x3f: {  	_ =	shalt  }
0x40: {  	_ =	shalt  }
0x41: {  	_ =	shalt  }
0x42: {  	_ =	shalt  }
0x43: {  	_ =	shalt  }
0x44: {  	_ =	shalt  }
0x45: {  	_ =	shalt  }
0x46: {  	_ =	shalt  }
0x47: {  	_ =	shalt  }
0x48: {  	_ =	shalt  }
0x49: {  	_ =	shalt  }
0x4a: {  	_ =	shalt  }
0x4b: {  	_ =	shalt  }
0x4c: {  	_ =	shalt  }
0x4d: {  	_ =	shalt  }
0x4e: {  	_ =	shalt  }
0x4f: {  	_ =	shalt  }
0x50: {  	_ =	shalt  }
0x51: {  	_ =	shalt  }
0x52: {  	_ =	shalt  }
0x53: {  	_ =	shalt  }
0x54: {  	_ =	shalt  }
0x55: {  	_ =	shalt  }
0x56: {  	_ =	shalt  }
0x57: {  	_ =	shalt  }
0x58: {  	_ =	shalt  }
0x59: {  	_ =	shalt  }
0x5a: {  	_ =	shalt  }
0x5b: {  	_ =	shalt  }
0x5c: {  	_ =	shalt  }
0x5d: {  	_ =	shalt  }
0x5e: {  	_ =	shalt  }
0x5f: {  	_ =	shalt  }
0x60: {  	_ =	shalt  }
0x61: {  	_ =	shalt  }
0x62: {  	_ =	shalt  }
0x63: {  	_ =	shalt  }
0x64: {  	_ =	shalt  }
0x65: {  	_ =	shalt  }
0x66: {  	_ =	shalt  }
0x67: {  	_ =	shalt  }
0x68: {  	_ =	shalt  }
0x69: {  	_ =	shalt  }
0x6a: {  	_ =	shalt  }
0x6b: {  	_ =	shalt  }
0x6c: {  	_ =	shalt  }
0x6d: {  	_ =	shalt  }
0x6e: {  	_ =	shalt  }
0x6f: {  	_ =	shalt  }
0x70: {  	_ =	shalt  }
0x71: {  	_ =	shalt  }
0x72: {  	_ =	shalt  }
0x73: {  	_ =	shalt  }
0x74: {  	_ =	shalt  }
0x75: {  	_ =	shalt  }
0x76: {  	_ =	shalt  }
0x77: {  	_ =	shalt  }
0x78: {  	_ =	shalt  }
0x79: {  	_ =	shalt  }
0x7a: {  	_ =	shalt  }
0x7b: {  	_ =	shalt  }
0x7c: {  	_ =	shalt  }
0x7d: {  	_ =	shalt  }
0x7e: {  	_ =	shalt  }
0x7f: {  	_ =	shalt  }
0x80: {  	_ =	shalt  }
0x81: {  	_ =	shalt  }
0x82: {  	_ =	shalt  }
0x83: {  	_ =	shalt  }
0x84: {  	_ =	shalt  }
0x85: {  	_ =	shalt  }
0x86: {  	_ =	shalt  }
0x87: {  	_ =	shalt  }
.Lfunc_end0:
.L_simem_size_0:
called_computation.1_lowered:
.L_overlay_start_0:
0x88: {  	s2 =	sld [smem:$0x3FD9]  }
0x89: {  	s3 =	sld [smem:$0x3FFE];
	_ =	sdelay $0x1  }
0x8a: {  	s1 =	srdreg.scid  }
0x8b: {  	s0 =	sand.u32 $0x1, s1  }
0x8c: {  	s17 =	sshll.u32 s0, $0xA;
	s2 =	sadd.s32 s3, s2  }
0x8d: {  	s2 =	sadd.s32 s2, s17  }
0x8e: {  	[smem:$0x3FB6] =	sst s2  }
0x8f: {  	_ = 	snop  }
0x90: {  	s2 =	sld [smem:$0x3FD0];
	(tm) =	ssettm $0x1  }
0x91: {  	s18 =	sld [smem:$0x3FFB];
	_ =	sdelay $0x3  }
0x92: {  	_ =	strace s18  }
0x93: {  	s3 =	sld [smem:$0x3FFC];
	_ =	sdelay $0x3  }
0x94: {  	_ =	strace s3  }
0x95: {  	s3 =	sld [smem:$0x3FFD];
	_ =	sdelay $0x3  }
0x96: {  	_ =	strace s3  }
0x97: {  	_ =	strace $0x8FFFFFFF  }
0x98: {  	s19 =	sld [smem:$0x3FDB];
	_ =	sdelay $0x1  }
0x99: {  	s4 =	simm.s32 $_scs_section_size  }
0x9a: {  	s5 =	simm.s32 $_size__tile_overlayer_lowered;
	s6 =	simm.s32 $_tile_overlayer_lowered  }
0x9b: {  	s22 =	simm.s32 $0x1BFF;
	s21 =	sshll.u32 s6, $0x1;
	s3 =	sadd.s32 s4, s19  }
0x9c: {  	s7 =	simm.s32 $0x0;
	s20 =	sshll.u32 s5, $0x1;
	s5 =	sadd.s32 s21, s3  }
0x9d: {  	[timem:s7], [sflag:s22] =	dma.local [hbm:s5], s20  }
0x9e: {  	_ =	swait.ge [sflag:s22], s20  }
0x9f: {  	s4 =	ssub.s32 $0x0, s20;
	[sflag:s22] =	ssyncset.done $0x0  }
0xa0: {  	[sflag:s22] =	ssyncadd.s32 s4;
	_ =	sdelay $0x1  }
0xa1: {  	s23 =	simm.s32 $0x1B8B  }
0xa2: {  	_ =	swait.ge [sflag:s23], $0x1  }
0xa3: {  	[sflag:s23] =	ssyncset.done $0x0  }
0xa4: {  	s25 =	simm.s32 $0x1B8E;
	s24 =	sld [smem:$0x3FFE];
	[sflag:s23] =	ssyncadd.s32 $0xFFFFFFFF  }
0xa5: {  	s26 =	simm.s32 $execute0_lowered;
	[smem:$0x3FD2] =	sst s25  }
0xa6: {  	s5 =	sshll.u32 s26, $0x1;
	_ =	strace $0x80000049;
	[dreg:$0x1] =	wrdreg $0xFFFFFFFF  }
0xa7: {  	s28 =	simm.s32 $_size_execute0_lowered;
	s3 =	sadd.s32 s3, s5;
	[dreg:$0x0] =	wrdreg $0x0  }
0xa8: {  	s5 =	sshll.u32 s28, $0x1;
	[dreg:$0x2] =	wrdreg s3  }
0xa9: {  	[dreg:$0x3] =	wrdreg s5  }
0xaa: {  	[dreg:$0x4] =	wrdreg $0xC0  }
0xab: {  	_ =	task [dreg:s7], $0x5FFFF  }
0xac: {  	[dreg:$0x1] =	wrdreg $0xFFFFFFFF  }
0xad: {  	[dreg:$0x0] =	wrdreg $0x60  }
0xae: {  	[dreg:$0x2] =	wrdreg s24  }
0xaf: {  	[dreg:$0x3] =	wrdreg s2  }
0xb0: {  	[dreg:$0x4] =	wrdreg $0xB0400  }
0xb1: {  	[dreg:$0x5] =	wrdreg $0x9  }
0xb2: {  	_ =	task.clear_ibuf [dreg:s7], $0x6FFFF;
	_ =	strace $0x90000049  }
0xb3: {  	s29 =	simm.s32 $0x9;
	_ =	strace $0x8000004B  }
0xb4: {  	_ =	swait.ge [sflag:s29], $0x1  }
0xb5: {  	[sflag:s29] =	ssyncadd.s32 $0xFFFFFFFF  }
0xb6: {  	_ =	strace $0x9000004B  }
0xb7: {  	_ =	sfence  }
0xb8: {  	s30 =	sld [smem:$0x0];
	_ =	sdelay $0x2  }
0xb9: {  	s31 =	sshll.u32 s1, $0xD;
	s1 =	sshrl.u32 s1, $0x2  }
0xba: {  	s3 =	sand.u32 $0x4000, s31;
	s1 =	sadd.s32 s1, s30  }
0xbb: {  	s0 =	sor.u32 s3, s0;
	s1 =	sshll.u32 s1, $0x11  }
0xbc: {  	s0 =	sor.u32 s1, s0  }
0xbd: {  	s0 =	sadd.s32 $0x8F2B, s0  }
0xbe: {  	[sflag:s0] =	ssyncadd.remote.s32 $0x1  }
0xbf: {  	_ =	sfence.sel $0xFFFF  }
0xc0: {  	[dreg:$0x0] =	wrdreg $0xFFFFFFFF;
	(pc) =	sbr.abs _section_cstart, $3  }
0xc1: {  	[dreg:$0x1] =	wrdreg $0xFFFFFFFF  }
0xc2: {  	_ =	task.clear_ibuf [dreg:s7], $0x2FFFF;
	_ =	strace $0x9FFFFFFF  }
0xc3: {  	(tm) =	ssettm $0x7FFFFFFF  }
tec
execute0_lowered:
.L_overlay_start_1:
0x0: {  	(tag) =	ssettag $0x1  }
0x1: {  	s5 =	rddreg [dreg:$0x0]  }
0x2: {  	s6 =	rddreg [dreg:$0x1]  }
0x3: {  	s2 =	rddreg [dreg:$0x2]  }
0x4: {  	s0 =	rddreg [dreg:$0x3];
	s1 =	stileid.u32  }
0x5: {  	s7 =	srdreg.scid;
	s3 =	simm.s32 $0x0;
	s14 =	simm.s32 $0x50  }
0x6: {  	s15 =	simm.s32 $0x9C40;
	s16 =	simm.s32 $0x1;
	s4 =	smul.u32 $0x9C4, s1  }
0x7: {  	s17 =	simm.s32 $0x0;
	s7 =	sand.u32 $0x1, s7;
	s8 =	smul.u32 $0xA000, s1  }
0x8: {  	[smem:$0x7FF] =	sst s3;
	s31 =	sshll.u32 s1, $0x6;
	s9 =	smul.u32 $0xA0000, s7  }
0x9: {  	_ =	strace $0x8000004A;
	s11 =	ssub.s32 $0x2, s7;
	p0 =	seq.s32 s7, $0x0  }
0xa: {  	s10 =	sadd.s32 s4, s5;
	s4 =	sadd.s32 $0x18200, s5;
	s12 =	sshrl.u32 s11, $0x1  }
0xb: {  	s29 =	sshrl.u32 s8, $0x3;
	s30 =	sadd.s32 s8, s2;
	s9 =	sadd.s32 s8, s9  }
0xc: {  	s11 =	ssub.s32 s11, s12;
	s13 =	sadd.s32 $0x4600, s10;
	s8 =	sor.u32 $0x1C02, s31  }
0xd: {  	s12 =	simm.s32 $0x2;
	s9 =	sshrl.u32 s9, $0x3;
	s7 =	smov.u32 s13  }
0xe: {  	s9 =	sadd.s32 s9, s5;
	s5 =	sadd.s32 s6, s29;
	s6 =	sadd.s32 $0xE400, s10  }
0xf: {  	s10 =	smax.u32 s11, $0x1;
	s11 =	sshrl.u32 s30, $0x3;
	s9 =	sadd.s32 $0x2BC00, s9  }
0x10: {  	s7 =	smov.u32 @p0 s6;
	s6 =	smov.u32 @p0 s13;
	s13 =	simm.s32 $0x4E20  }
.LBB2_1:
0x11: {  	[spmem:s11], [sflag:s8] =	dma.local [hbm:s5], $0x1400  }
0x12: {  	_ =	swait.ge [sflag:s12], $0x1400  }
0x13: {  	[sflag:s12] =	ssyncset.done $0x0  }
0x14: {  	[sflag:s12] =	ssyncadd.s32 $0xFFFFEC00  }
0x15: {  	[tilespmem:s3], [sflag:$0x2] =	stream.linear.gather [hbm4b:s7+s3], $0x4E20, $0x38;
	[tilespmem:$0x15040] =	vst v63  }
0x16: {  	_ =	swait.ge [sflag:s12], $0x4E20  }
0x17: {  	[sflag:s12] =	ssyncset.done $0x0  }
0x18: {  	[sflag:s12] =	ssyncadd.s32 $0xFFFFB1E0  }
0x19: {  	[tilespmem:s13], [sflag:$0x2] =	stream.linear.gather [hbm4b:s6+s3], $0x4E20, $0x38;
	[tilespmem:$0x15040] =	vst v63  }
0x1a: {  	_ =	swait.ge [sflag:s12], $0x4E20  }
0x1b: {  	[sflag:s12] =	ssyncset.done $0x0  }
0x1c: {  	[sflag:s12] =	ssyncadd.s32 $0xFFFFB1E0  }
0x1d: {  	s18 =	simm.s32 $0x0;
	[bflag:$0x0] =	sbarrier.arrive $0xFFFF  }
0x1e: {  	[tilespmem:s15], [sflag:$0x1] =	stream.indirect.gather [hbm4b:s4+s14], $0x40, s18, s14, $0xb8;
	[tilespmem:$0x15040] =	vst v63  }
0x1f: {  	_ =	swait.ge [sflag:s16], $0x1400  }
0x20: {  	[sflag:s16] =	ssyncset.done $0x0  }
0x21: {  	s31 =	simm.s32 $0x4E20;
	[sflag:s16] =	ssyncadd.s32 $0xFFFFEC00  }
0x22: {  	[spmem:s2] =	stream.indirect.scatter.add.f32 [tilespmem:s15], [sflag:$0x2], $0x40, s31, s14, $0xb8;
	[tilespmem:$0x15040] =	vst v63  }
0x23: {  	_ =	swait.ge [sflag:s12], $0x1400  }
0x24: {  	s19 =	simm.s32 $0x280;
	s18 =	simm.s32 $0x140;
	[sflag:s12] =	ssyncset.done $0x0  }
.LBB2_2:
0x25: {  	s20 =	sshra.s32 s18, $0x2  }
0x26: {  	[sflag:s12] =	ssyncadd.s32 $0xFFFFEC00;
	s18 =	smov.u32 s19;
	s21 =	sadd.s32 $0x140, s19  }
0x27: {  	[tilespmem:s15], [sflag:$0x1] =	stream.indirect.gather [hbm4b:s4+s14], $0x40, s20, s14, $0xb8;
	[tilespmem:$0x15040] =	vst v63  }
0x28: {  	p0 =	sne.s32 s19, $0x13740;
	_ =	swait.ge [sflag:s16], $0x1400  }
.Ltmp0:
0x29: {  	[sflag:s16] =	ssyncset.done $0x0;
	(pc) =	sbr.rel @p0 .LBB2_2-.Ltmp0, $4  }
0x2a: {  	s19 =	sadd.s32 $0x4E20, s20;
	[sflag:s16] =	ssyncadd.s32 $0xFFFFEC00  }
0x2b: {  	[spmem:s2] =	stream.indirect.scatter.add.f32 [tilespmem:s15], [sflag:$0x2], $0x40, s19, s14, $0xb8;
	[tilespmem:$0x15040] =	vst v63  }
0x2c: {  	_ =	swait.ge [sflag:s12], $0x1400  }
0x2d: {  	s19 =	smov.u32 s21;
	[sflag:s12] =	ssyncset.done $0x0  }
0x2e: {  	s18 =	sshra.s32 s18, $0x2;
	[sflag:s12] =	ssyncadd.s32 $0xFFFFEC00  }
0x2f: {  	[tilespmem:s15], [sflag:$0x1] =	stream.indirect.gather [hbm4b:s4+s14], $0x40, s18, s14, $0xb8;
	[tilespmem:$0x15040] =	vst v63  }
0x30: {  	_ =	swait.ge [sflag:s16], $0x1400  }
0x31: {  	[sflag:s16] =	ssyncset.done $0x0  }
0x32: {  	s18 =	sadd.s32 $0x4E20, s18;
	[sflag:s16] =	ssyncadd.s32 $0xFFFFEC00  }
0x33: {  	[spmem:s2] =	stream.indirect.scatter.add.f32 [tilespmem:s15], [sflag:$0x2], $0x40, s18, s14, $0xb8;
	[tilespmem:$0x15040] =	vst v63  }
0x34: {  	_ =	swait.ge [sflag:s12], $0x1400  }
0x35: {  	s17 =	sadd.s32 $0x1, s17;
	[sflag:s12] =	ssyncset.done $0x0  }
0x36: {  	p0 =	sne.s32 s17, s10;
	[sflag:s12] =	ssyncadd.s32 $0xFFFFEC00  }
.Ltmp1:
0x37: {  	[bflag:$0x0] =	sbarrier.arrive $0xFFFF;
	(pc) =	sbr.rel @p0 .LBB2_1-.Ltmp1, $4  }
0x38: {  	[hbm:s9], [sflag:s8] =	dma.local [spmem:s11], $0x1400  }
0x39: {  	_ =	swait.ge [sflag:s12], $0x1400  }
0x3a: {  	[sflag:s12] =	ssyncset.done $0x0  }
0x3b: {  	[sflag:s12] =	ssyncadd.s32 $0xFFFFEC00  }
0x3c: {  	_ =	sfence.sel $0x180000  }
0x3d: {  	[bflag:$0x0] =	sbarrier.arrive $0xFFFF  }
0x3e: {  	p0 =	sne.s32 s1, $0x0;
	_ =	strace $0x9000004A  }
0x3f: {  	s0 =	sadd.s32 @!p0 $0x100000, s0;
	[bflag:$0x2] =	sbarrier.arrive $0xFFFF  }
0x40: {  	[sflag:s0] =	ssyncadd.tile.s32 @!p0 $0x1;
	_ =	shalt  }
.Lfunc_end2:
_tile_overlayer_lowered:
.L_overlay_start_2:
0x41: {  	(tag) =	ssettag $0x2  }
0x42: {  	s0 =	rddreg [dreg:$0x0];
	s2 =	stileid.u32  }
0x43: {  	s1 =	rddreg [dreg:$0x1];
	p0 =	sne.s32 s2, $0x0  }
0x44: {  	s3 =	rddreg [dreg:$0x2];
	[bflag:$0x3] =	sbarrier.arrive $0xFFFF;
	s2 =	simm.s32 @!p0 $0x1C02  }
0x45: {  	[timem:s3], [sflag:s2] =	dma.local @!p0 [hbm:s0], s1  }
0x46: {  	s0 =	simm.s32 @!p0 $0x2  }
0x47: {  	_ =	swait.ge @!p0 [sflag:s0], s1  }
0x48: {  	s1 =	ssub.s32 @!p0 $0x0, s1;
	[sflag:s0] =	ssyncset.done @!p0 $0x0  }
0x49: {  	[sflag:s0] =	ssyncadd.s32 @!p0 s1  }
0x4a: {  	[bflag:$0x3] =	sbarrier.arrive $0xFFFF  }
0x4b: {  	_ =	shalt  }

// kernel: kernel.7.cloned.1.call-start
scs
__scs_entry_jumppad:
0x0: {  	(pc) =	sbr.rel $0x88, $3  }
0x1: {  	(tag) =	ssettag $0x0;
	lr =	simm.s32 $0x1  }
0x2: {  	[smem:$0x3F8F] =	sst lr;
	_ =	strace $0xD0000000  }
0x3: {  	_ = 	snop  }
0x4: {  	_ = 	snop  }
0x5: {  	_ = 	snop  }
0x6: {  	_ = 	snop  }
0x7: {  	_ = 	snop  }
__scs_overlays_trampoline_lowered:
0x8: {  	[smem:$0x3F9E] =	sst s0  }
0x9: {  	[smem:$0x3F9F] =	sst s1  }
0xa: {  	[smem:$0x3FA0] =	sst s2  }
0xb: {  	[smem:$0x3FA1] =	sst s3  }
0xc: {  	[smem:$0x3FA2] =	sst s4  }
0xd: {  	[smem:$0x3FA3] =	sst s5  }
0xe: {  	[smem:$0x3FA4] =	sst s6  }
0xf: {  	[smem:$0x3FA5] =	sst s7  }
0x10: {  	[smem:$0x3FA6] =	sst s8  }
0x11: {  	[smem:$0x3FA7] =	sst s9;
	s0 =	simm.s32 @!p0 $0x0  }
0x12: {  	s1 =	sld [smem:$0x3F8D];
	s0 =	simm.s32 @p0 $0x1  }
0x13: {  	[smem:$0x3FA8] =	sst s0;
	s0 =	simm.s32 @!p1 $0x0  }
0x14: {  	s2 =	sld [smem:$0x3F8C];
	s0 =	simm.s32 @p1 $0x1  }
0x15: {  	[smem:$0x3FA9] =	sst s0;
	s0 =	simm.s32 @!p2 $0x0  }
0x16: {  	s3 =	sld [smem:$0x3FDB];
	s0 =	simm.s32 @p2 $0x1  }
0x17: {  	s4 =	simm.s32 $0x1BF5;
	[smem:$0x3FAB] =	sst s0  }
0x18: {  	s0 =	sld [smem:$0x3F8E];
	_ =	swait.ge [sflag:s4], $0x0  }
0x19: {  	s7 =	sld [smem:$0x3F8F]  }
0x1a: {  	s8 =	sadd.s32 $0xFFFFE003, lr  }
0x1b: {  	s9 =	sadd.s32 $0xFFFFFEF7, lr;
	s5 =	simm.s32 $0xFFFFFFFF;
	p2 =	slt.u32 s8, $0xFFFFF086  }
0x1c: {  	p1 =	slt.u32 s9, $0xF7A;
	s5 =	simm.s32 @!p2 $0x0  }
0x1d: {  	s5 =	simm.s32 @p1 $0x1;
	p0 =	seq.s32 s7, s2  }
0x1e: {  	s7 =	smul.u32 @!p0 $0xF7A, s2;
	p2 =	seq.s32 @!p0 s5, $0x0  }
0x1f: {  	s9 =	smul.u32 $0xF7A, s1;
	s8 =	simm.s32 @!p0 $0x1BF5;
	p2 =	por !p2, p0  }
0x20: {  	[sflag:s8] =	ssyncset.s32 @!p0 $0xFFFFF086;
	s6 =	sadd.s32 @!p0 s3, s7;
	s7 =	simm.s32 @!p0 $0x108  }
0x21: {  	s3 =	sadd.s32 s3, s9;
	s6 =	sadd.s32 @!p0 $0x88, s6;
	s7 =	simm.s32 @p2 $0x1082  }
0x22: {  	[simem:s7], [sflag:s8] =	dma.local @!p0 [hbm:s6], $0xF7A  }
0x23: {  	s9 =	sor.u32 $0xD0000000, s2;
	s6 =	simm.s32 $0x108;
	_ =	swait.ge @!p0 [sflag:s8], $0x0  }
0x24: {  	s3 =	sadd.s32 $0x88, s3;
	s6 =	simm.s32 @!p1 $0x1082;
	[sflag:s4] =	ssyncset.s32 $0xFFFFF086  }
0x25: {  	[simem:s6], [sflag:s4] =	dma.local [hbm:s3], $0xF7A  }
0x26: {  	[smem:$0x3F8F] =	sst s1;
	(tag) =	ssettag s2;
	_ =	strace s9  }
0x27: {  	s1 =	sld [smem:$0x3F9F]  }
0x28: {  	s2 =	sld [smem:$0x3FA0]  }
0x29: {  	s4 =	sld [smem:$0x3FA2]  }
0x2a: {  	p0 =	seq.s32 s5, $0x0;
	s5 =	sld [smem:$0x3FA3]  }
0x2b: {  	s6 =	sld [smem:$0x3FA4]  }
0x2c: {  	s7 =	sld [smem:$0x3FA5]  }
0x2d: {  	s3 =	simm.s32 $0x108;
	s8 =	sld [smem:$0x3FA6]  }
0x2e: {  	s3 =	simm.s32 @!p0 $0x1082;
	s9 =	sld [smem:$0x3FA7]  }
0x2f: {  	lr =	sadd.s32 s0, s3;
	s0 =	sld [smem:$0x3F9E]  }
0x30: {  	s3 =	sld [smem:$0x3FA1]  }
0x31: {  	[smem:$0x3FAA] =	sst s10  }
0x32: {  	s10 =	sld [smem:$0x3FA8];
	_ =	sdelay $0x3  }
0x33: {  	p0 =	seq.s32 s10, $0x1;
	s10 =	sld [smem:$0x3FAA];
	_ =	sdelay $0x3  }
0x34: {  	[smem:$0x3FAA] =	sst s10  }
0x35: {  	s10 =	sld [smem:$0x3FA9];
	_ =	sdelay $0x3  }
0x36: {  	p1 =	seq.s32 s10, $0x1;
	s10 =	sld [smem:$0x3FAA];
	_ =	sdelay $0x3  }
0x37: {  	[smem:$0x3FAA] =	sst s10  }
0x38: {  	s10 =	sld [smem:$0x3FAB]  }
0x39: {  	_ = 	snop;
	(pc) =	sbr.ind lr, $3  }
0x3a: {  	_ = 	snop  }
0x3b: {  	_ = 	snop  }
0x3c: {  	p2 =	seq.s32 s10, $0x1;
	s10 =	sld [smem:$0x3FAA]  }
0x3d: {  	_ =	shalt  }
0x3e: {  	_ =	shalt  }
0x3f: {  	_ =	shalt  }
0x40: {  	_ =	shalt  }
0x41: {  	_ =	shalt  }
0x42: {  	_ =	shalt  }
0x43: {  	_ =	shalt  }
0x44: {  	_ =	shalt  }
0x45: {  	_ =	shalt  }
0x46: {  	_ =	shalt  }
0x47: {  	_ =	shalt  }
0x48: {  	_ =	shalt  }
0x49: {  	_ =	shalt  }
0x4a: {  	_ =	shalt  }
0x4b: {  	_ =	shalt  }
0x4c: {  	_ =	shalt  }
0x4d: {  	_ =	shalt  }
0x4e: {  	_ =	shalt  }
0x4f: {  	_ =	shalt  }
0x50: {  	_ =	shalt  }
0x51: {  	_ =	shalt  }
0x52: {  	_ =	shalt  }
0x53: {  	_ =	shalt  }
0x54: {  	_ =	shalt  }
0x55: {  	_ =	shalt  }
0x56: {  	_ =	shalt  }
0x57: {  	_ =	shalt  }
0x58: {  	_ =	shalt  }
0x59: {  	_ =	shalt  }
0x5a: {  	_ =	shalt  }
0x5b: {  	_ =	shalt  }
0x5c: {  	_ =	shalt  }
0x5d: {  	_ =	shalt  }
0x5e: {  	_ =	shalt  }
0x5f: {  	_ =	shalt  }
0x60: {  	_ =	shalt  }
0x61: {  	_ =	shalt  }
0x62: {  	_ =	shalt  }
0x63: {  	_ =	shalt  }
0x64: {  	_ =	shalt  }
0x65: {  	_ =	shalt  }
0x66: {  	_ =	shalt  }
0x67: {  	_ =	shalt  }
0x68: {  	_ =	shalt  }
0x69: {  	_ =	shalt  }
0x6a: {  	_ =	shalt  }
0x6b: {  	_ =	shalt  }
0x6c: {  	_ =	shalt  }
0x6d: {  	_ =	shalt  }
0x6e: {  	_ =	shalt  }
0x6f: {  	_ =	shalt  }
0x70: {  	_ =	shalt  }
0x71: {  	_ =	shalt  }
0x72: {  	_ =	shalt  }
0x73: {  	_ =	shalt  }
0x74: {  	_ =	shalt  }
0x75: {  	_ =	shalt  }
0x76: {  	_ =	shalt  }
0x77: {  	_ =	shalt  }
0x78: {  	_ =	shalt  }
0x79: {  	_ =	shalt  }
0x7a: {  	_ =	shalt  }
0x7b: {  	_ =	shalt  }
0x7c: {  	_ =	shalt  }
0x7d: {  	_ =	shalt  }
0x7e: {  	_ =	shalt  }
0x7f: {  	_ =	shalt  }
0x80: {  	_ =	shalt  }
0x81: {  	_ =	shalt  }
0x82: {  	_ =	shalt  }
0x83: {  	_ =	shalt  }
0x84: {  	_ =	shalt  }
0x85: {  	_ =	shalt  }
0x86: {  	_ =	shalt  }
0x87: {  	_ =	shalt  }
.Lfunc_end0:
.L_simem_size_0:
called_computation_lowered:
.L_overlay_start_0:
0x88: {  	s2 =	sld [smem:$0x3FD9]  }
0x89: {  	s3 =	sld [smem:$0x3FFE];
	_ =	sdelay $0x1  }
0x8a: {  	s1 =	srdreg.scid  }
0x8b: {  	s0 =	sand.u32 $0x1, s1  }
0x8c: {  	s17 =	sshll.u32 s0, $0xA;
	s2 =	sadd.s32 s3, s2  }
0x8d: {  	s2 =	sadd.s32 s2, s17  }
0x8e: {  	[smem:$0x3FB6] =	sst s2  }
0x8f: {  	_ = 	snop  }
0x90: {  	s2 =	sld [smem:$0x3FD0];
	(tm) =	ssettm $0x1  }
0x91: {  	s18 =	sld [smem:$0x3FFB];
	_ =	sdelay $0x3  }
0x92: {  	_ =	strace s18  }
0x93: {  	s3 =	sld [smem:$0x3FFC];
	_ =	sdelay $0x3  }
0x94: {  	_ =	strace s3  }
0x95: {  	s3 =	sld [smem:$0x3FFD];
	_ =	sdelay $0x3  }
0x96: {  	_ =	strace s3  }
0x97: {  	_ =	strace $0x8FFFFFFF  }
0x98: {  	s19 =	sld [smem:$0x3FDB];
	_ =	sdelay $0x1  }
0x99: {  	s4 =	simm.s32 $_scs_section_size  }
0x9a: {  	s5 =	simm.s32 $_size__tile_overlayer_lowered;
	s6 =	simm.s32 $_tile_overlayer_lowered  }
0x9b: {  	s22 =	simm.s32 $0x1BFF;
	s21 =	sshll.u32 s6, $0x1;
	s3 =	sadd.s32 s4, s19  }
0x9c: {  	s7 =	simm.s32 $0x0;
	s20 =	sshll.u32 s5, $0x1;
	s5 =	sadd.s32 s21, s3  }
0x9d: {  	[timem:s7], [sflag:s22] =	dma.local [hbm:s5], s20  }
0x9e: {  	_ =	swait.ge [sflag:s22], s20  }
0x9f: {  	s4 =	ssub.s32 $0x0, s20;
	[sflag:s22] =	ssyncset.done $0x0  }
0xa0: {  	[sflag:s22] =	ssyncadd.s32 s4;
	_ =	sdelay $0x1  }
0xa1: {  	s23 =	simm.s32 $0x1B8B  }
0xa2: {  	_ =	swait.ge [sflag:s23], $0x1  }
0xa3: {  	[sflag:s23] =	ssyncset.done $0x0  }
0xa4: {  	s25 =	simm.s32 $0x1B8E;
	s24 =	sld [smem:$0x3FFE];
	[sflag:s23] =	ssyncadd.s32 $0xFFFFFFFF  }
0xa5: {  	s26 =	simm.s32 $execute0_lowered;
	[smem:$0x3FD2] =	sst s25  }
0xa6: {  	s5 =	sshll.u32 s26, $0x1;
	_ =	strace $0x80000046;
	[dreg:$0x1] =	wrdreg $0xFFFFFFFF  }
0xa7: {  	s28 =	simm.s32 $_size_execute0_lowered;
	s3 =	sadd.s32 s3, s5;
	[dreg:$0x0] =	wrdreg $0x0  }
0xa8: {  	s5 =	sshll.u32 s28, $0x1;
	[dreg:$0x2] =	wrdreg s3  }
0xa9: {  	[dreg:$0x3] =	wrdreg s5  }
0xaa: {  	[dreg:$0x4] =	wrdreg $0xC0  }
0xab: {  	_ =	task [dreg:s7], $0x5FFFF  }
0xac: {  	[dreg:$0x1] =	wrdreg $0xFFFFFFFF  }
0xad: {  	[dreg:$0x0] =	wrdreg $0x60  }
0xae: {  	[dreg:$0x2] =	wrdreg s24  }
0xaf: {  	[dreg:$0x3] =	wrdreg s2  }
0xb0: {  	[dreg:$0x4] =	wrdreg $0xB0400  }
0xb1: {  	[dreg:$0x5] =	wrdreg $0x155400  }
0xb2: {  	[dreg:$0x6] =	wrdreg $0x9  }
0xb3: {  	_ =	task.clear_ibuf [dreg:s7], $0x7FFFF;
	_ =	strace $0x90000046  }
0xb4: {  	s29 =	simm.s32 $0x9;
	_ =	strace $0x80000048  }
0xb5: {  	_ =	swait.ge [sflag:s29], $0x1  }
0xb6: {  	[sflag:s29] =	ssyncadd.s32 $0xFFFFFFFF  }
0xb7: {  	_ =	strace $0x90000048  }
0xb8: {  	_ =	sfence  }
0xb9: {  	s30 =	sld [smem:$0x0];
	_ =	sdelay $0x2  }
0xba: {  	s31 =	sshll.u32 s1, $0xD;
	s1 =	sshrl.u32 s1, $0x2  }
0xbb: {  	s3 =	sand.u32 $0x4000, s31;
	s1 =	sadd.s32 s1, s30  }
0xbc: {  	s0 =	sor.u32 s3, s0;
	s1 =	sshll.u32 s1, $0x11  }
0xbd: {  	s0 =	sor.u32 s1, s0  }
0xbe: {  	s0 =	sadd.s32 $0x8F2B, s0  }
0xbf: {  	[sflag:s0] =	ssyncadd.remote.s32 $0x1  }
0xc0: {  	_ =	sfence.sel $0xFFFF  }
0xc1: {  	[dreg:$0x0] =	wrdreg $0xFFFFFFFF;
	(pc) =	sbr.abs _section_cstart, $3  }
0xc2: {  	[dreg:$0x1] =	wrdreg $0xFFFFFFFF  }
0xc3: {  	_ =	task.clear_ibuf [dreg:s7], $0x2FFFF;
	_ =	strace $0x9FFFFFFF  }
0xc4: {  	(tm) =	ssettm $0x7FFFFFFF  }
0xc5: {  	_ =	shalt  }
tec
execute0_lowered:
.L_overlay_start_1:
0x0: {  	(tag) =	ssettag $0x1  }
0x1: {  	s7 =	rddreg [dreg:$0x0]  }
0x2: {  	s8 =	rddreg [dreg:$0x1]  }
0x3: {  	s2 =	rddreg [dreg:$0x2]  }
0x4: {  	s3 =	rddreg [dreg:$0x3]  }
0x5: {  	s1 =	stileid.u32;
	s0 =	rddreg [dreg:$0x4];
	s4 =	simm.s32 $0x0  }
0x6: {  	s6 =	srdreg.scid;
	s20 =	simm.s32 $0x50;
	s5 =	smul.u32 $0x9C4, s1  }
0x7: {  	s21 =	simm.s32 $0x9C40;
	s22 =	simm.s32 $0x1;
	s9 =	smul.u32 $0x2800, s1  }
0x8: {  	s23 =	simm.s32 $0x0;
	s10 =	sand.u32 $0x1, s6;
	s11 =	smul.u32 $0xA000, s1  }
0x9: {  	[smem:$0x7FF] =	sst s4;
	s6 =	sadd.s32 $0x30C00, s7;
	s12 =	smul.u32 $0xA0000, s10  }
0xa: {  	s31 =	sshll.u32 s1, $0x6;
	_ =	strace $0x80000047;
	s14 =	smul.u32 $0x28000, s10  }
0xb: {  	s16 =	ssub.s32 $0x2, s10;
	p0 =	seq.s32 s10, $0x0;
	s13 =	sadd.s32 s5, s7  }
0xc: {  	s28 =	sshrl.u32 s9, $0x3;
	s5 =	sadd.s32 $0x18200, s7;
	s17 =	sshrl.u32 s16, $0x1  }
0xd: {  	s29 =	sadd.s32 s11, s2;
	s30 =	sshrl.u32 s11, $0x3;
	s19 =	sadd.s32 s9, s3  }
0xe: {  	s15 =	sadd.s32 s28, s7;
	s12 =	sadd.s32 s11, s12;
	s14 =	sadd.s32 s9, s14  }
0xf: {  	s16 =	ssub.s32 s16, s17;
	s18 =	sadd.s32 $0x4600, s13;
	s9 =	sadd.s32 $0xE400, s13  }
0x10: {  	s17 =	sshrl.u32 s19, $0x3;
	s19 =	simm.s32 $0x4E20;
	s12 =	sshrl.u32 s12, $0x3  }
0x11: {  	s14 =	sshrl.u32 s14, $0x3;
	s10 =	smov.u32 s18;
	s11 =	sadd.s32 $0x2BC00, s15  }
0x12: {  	s15 =	sshrl.u32 s29, $0x3;
	s12 =	sadd.s32 s12, s7;
	s14 =	sadd.s32 s14, s7  }
0x13: {  	s7 =	sadd.s32 s8, s30;
	s8 =	sor.u32 $0x1C02, s31;
	s10 =	smov.u32 @p0 s9  }
0x14: {  	s9 =	smov.u32 @p0 s18;
	s18 =	simm.s32 $0x15040;
	s12 =	sadd.s32 $0x3AE00, s12  }
0x15: {  	s13 =	sadd.s32 $0x30E00, s14;
	s14 =	smax.u32 s16, $0x1;
	s16 =	simm.s32 $0x2  }
.LBB2_1:
0x16: {  	[spmem:s15], [sflag:s8] =	dma.local [hbm:s7], $0x1400  }
0x17: {  	_ =	swait.ge [sflag:s16], $0x1400  }
0x18: {  	[sflag:s16] =	ssyncset.done $0x0  }
0x19: {  	[sflag:s16] =	ssyncadd.s32 $0xFFFFEC00  }
0x1a: {  	[spmem:s17], [sflag:s8] =	dma.local [hbm:s11], $0x500  }
0x1b: {  	_ =	swait.ge [sflag:s16], $0x500  }
0x1c: {  	[sflag:s16] =	ssyncset.done $0x0  }
0x1d: {  	[sflag:s16] =	ssyncadd.s32 $0xFFFFFB00  }
0x1e: {  	[tilespmem:s18], [sflag:$0x2] =	stream.linear.gather [hbm4b:s6+s4], $0x500, $0x38;
	[tilespmem:$0x17D40] =	vst v63  }
0x1f: {  	_ =	swait.ge [sflag:s16], $0x500  }
0x20: {  	[sflag:s16] =	ssyncset.done $0x0  }
0x21: {  	[sflag:s16] =	ssyncadd.s32 $0xFFFFFB00  }
0x22: {  	[tilespmem:s4], [sflag:$0x2] =	stream.linear.gather [hbm4b:s10+s4], $0x4E20, $0x38;
	[tilespmem:$0x17D40] =	vst v63  }
0x23: {  	_ =	swait.ge [sflag:s16], $0x4E20  }
0x24: {  	[sflag:s16] =	ssyncset.done $0x0  }
0x25: {  	[sflag:s16] =	ssyncadd.s32 $0xFFFFB1E0  }
0x26: {  	[tilespmem:s19], [sflag:$0x2] =	stream.linear.gather [hbm4b:s9+s4], $0x4E20, $0x38;
	[tilespmem:$0x17D40] =	vst v63  }
0x27: {  	_ =	swait.ge [sflag:s16], $0x4E20  }
0x28: {  	[sflag:s16] =	ssyncset.done $0x0  }
0x29: {  	[sflag:s16] =	ssyncadd.s32 $0xFFFFB1E0  }
0x2a: {  	s24 =	simm.s32 $0x0;
	[bflag:$0x0] =	sbarrier.arrive $0xFFFF  }
0x2b: {  	[tilespmem:s21], [sflag:$0x1] =	stream.indirect.gather [hbm4b:s5+s20], $0x40, s24, s20, $0xb8;
	[tilespmem:$0x17D40] =	vst v63  }
0x2c: {  	_ =	swait.ge [sflag:s22], $0x1400  }
0x2d: {  	[sflag:s22] =	ssyncset.done $0x0  }
0x2e: {  	s31 =	simm.s32 $0x4E20;
	[sflag:s22] =	ssyncadd.s32 $0xFFFFEC00  }
0x2f: {  	[spmem:s2] =	stream.indirect.scatter.add.f32 [tilespmem:s21], [sflag:$0x2], $0x40, s31, s20, $0xb8;
	[tilespmem:$0x17D40] =	vst v63  }
0x30: {  	_ =	swait.ge [sflag:s16], $0x1400  }
0x31: {  	[sflag:s16] =	ssyncset.done $0x0  }
0x32: {  	[sflag:s16] =	ssyncadd.s32 $0xFFFFEC00  }
0x33: {  	[spmem:s3] =	stream.indirect.scatter.add.f32 [tilespmem:s18], [sflag:$0x2], $0x10, s31, s20, $0xb8;
	[tilespmem:$0x17D40] =	vst v63  }
0x34: {  	_ =	swait.ge [sflag:s16], $0x500  }
0x35: {  	s25 =	simm.s32 $0x280;
	s24 =	simm.s32 $0x140;
	[sflag:s16] =	ssyncset.done $0x0  }
.LBB2_2:
0x36: {  	s26 =	sshra.s32 s24, $0x2  }
0x37: {  	[sflag:s16] =	ssyncadd.s32 $0xFFFFFB00;
	s24 =	smov.u32 s25;
	s28 =	sadd.s32 $0x140, s25  }
0x38: {  	[tilespmem:s21], [sflag:$0x1] =	stream.indirect.gather [hbm4b:s5+s20], $0x40, s26, s20, $0xb8;
	[tilespmem:$0x17D40] =	vst v63  }
0x39: {  	p0 =	sne.s32 s25, $0x13740;
	_ =	swait.ge [sflag:s22], $0x1400  }
0x3a: {  	[sflag:s22] =	ssyncset.done $0x0  }
0x3b: {  	s25 =	sadd.s32 $0x4E20, s26;
	[sflag:s22] =	ssyncadd.s32 $0xFFFFEC00  }
0x3c: {  	[spmem:s2] =	stream.indirect.scatter.add.f32 [tilespmem:s21], [sflag:$0x2], $0x40, s25, s20, $0xb8;
	[tilespmem:$0x17D40] =	vst v63  }
0x3d: {  	_ =	swait.ge [sflag:s16], $0x1400  }
.Ltmp0:
0x3e: {  	[sflag:s16] =	ssyncset.done $0x0;
	(pc) =	sbr.rel @p0 .LBB2_2-.Ltmp0, $4  }
0x3f: {  	[sflag:s16] =	ssyncadd.s32 $0xFFFFEC00  }
0x40: {  	[spmem:s3] =	stream.indirect.scatter.add.f32 [tilespmem:s18], [sflag:$0x2], $0x10, s25, s20, $0xb8;
	[tilespmem:$0x17D40] =	vst v63  }
0x41: {  	_ =	swait.ge [sflag:s16], $0x500  }
0x42: {  	s25 =	smov.u32 s28;
	[sflag:s16] =	ssyncset.done $0x0  }
0x43: {  	s24 =	sshra.s32 s24, $0x2;
	[sflag:s16] =	ssyncadd.s32 $0xFFFFFB00  }
0x44: {  	[tilespmem:s21], [sflag:$0x1] =	stream.indirect.gather [hbm4b:s5+s20], $0x40, s24, s20, $0xb8;
	[tilespmem:$0x17D40] =	vst v63  }
0x45: {  	_ =	swait.ge [sflag:s22], $0x1400  }
0x46: {  	[sflag:s22] =	ssyncset.done $0x0  }
0x47: {  	s24 =	sadd.s32 $0x4E20, s24;
	[sflag:s22] =	ssyncadd.s32 $0xFFFFEC00  }
0x48: {  	[spmem:s2] =	stream.indirect.scatter.add.f32 [tilespmem:s21], [sflag:$0x2], $0x40, s24, s20, $0xb8;
	[tilespmem:$0x17D40] =	vst v63  }
0x49: {  	_ =	swait.ge [sflag:s16], $0x1400  }
0x4a: {  	[sflag:s16] =	ssyncset.done $0x0  }
0x4b: {  	[sflag:s16] =	ssyncadd.s32 $0xFFFFEC00  }
0x4c: {  	[spmem:s3] =	stream.indirect.scatter.add.f32 [tilespmem:s18], [sflag:$0x2], $0x10, s24, s20, $0xb8;
	[tilespmem:$0x17D40] =	vst v63  }
0x4d: {  	_ =	swait.ge [sflag:s16], $0x500  }
0x4e: {  	[sflag:s16] =	ssyncset.done $0x0  }
0x4f: {  	[sflag:s16] =	ssyncadd.s32 $0xFFFFFB00  }
0x50: {  	[bflag:$0x0] =	sbarrier.arrive $0xFFFF  }
0x51: {  	[hbm:s12], [sflag:s8] =	dma.local [spmem:s15], $0x1400  }
0x52: {  	s23 =	sadd.s32 $0x1, s23;
	_ =	swait.ge [sflag:s16], $0x1400  }
0x53: {  	p0 =	sne.s32 s23, s14;
	[sflag:s16] =	ssyncset.done $0x0  }
.Ltmp1:
0x54: {  	[sflag:s16] =	ssyncadd.s32 $0xFFFFEC00;
	(pc) =	sbr.rel @p0 .LBB2_1-.Ltmp1, $4  }
0x55: {  	[hbm:s13], [sflag:s8] =	dma.local [spmem:s17], $0x500  }
0x56: {  	_ =	swait.ge [sflag:s16], $0x500  }
0x57: {  	[sflag:s16] =	ssyncset.done $0x0  }
0x58: {  	[sflag:s16] =	ssyncadd.s32 $0xFFFFFB00  }
0x59: {  	_ =	sfence.sel $0x180000  }
0x5a: {  	[bflag:$0x0] =	sbarrier.arrive $0xFFFF  }
0x5b: {  	p0 =	sne.s32 s1, $0x0;
	_ =	strace $0x90000047  }
0x5c: {  	s0 =	sadd.s32 @!p0 $0x100000, s0;
	[bflag:$0x2] =	sbarrier.arrive $0xFFFF  }
0x5d: {  	[sflag:s0] =	ssyncadd.tile.s32 @!p0 $0x1;
	_ =	shalt  }
.Lfunc_end2:
_tile_overlayer_lowered:
.L_overlay_start_2:
0x5e: {  	(tag) =	ssettag $0x2  }
0x5f: {  	s0 =	rddreg [dreg:$0x0];
	s2 =	stileid.u32  }
0x60: {  	s1 =	rddreg [dreg:$0x1];
	p0 =	sne.s32 s2, $0x0  }
0x61: {  	s3 =	rddreg [dreg:$0x2];
	[bflag:$0x3] =	sbarrier.arrive $0xFFFF;
	s2 =	simm.s32 @!p0 $0x1C02  }
0x62: {  	[timem:s3], [sflag:s2] =	dma.local @!p0 [hbm:s0], s1  }
0x63: {  	s0 =	simm.s32 @!p0 $0x2  }
0x64: {  	_ =	swait.ge @!p0 [sflag:s0], s1  }
0x65: {  	s1 =	ssub.s32 @!p0 $0x0, s1;
	[sflag:s0] =	ssyncset.done @!p0 $0x0  }
0x66: {  	[sflag:s0] =	ssyncadd.s32 @!p0 s1  }
0x67: {  	[bflag:$0x3] =	sbarrier.arrive $0xFFFF  }
0x68: {  	_ =	shalt  }

</sc_bundles>
